<compile_context>
chip_gen: v7x
topology: tpu7x:2x2x1
jax: 0.10.2.dev20260603
libtpu: 0.0.44.dev20260713+nightly
codegen_flags: <defaults>
</compile_context>

<pallas_src>
import functools

import jax
import jax.numpy as jnp
from jax import lax
from jax.experimental import pallas as pl
from jax.experimental.pallas import tpu as pltpu
from jax.experimental.pallas import tpu_sc as plsc

N = 5000
C = 80
THR = 0.2
IOU_THR = 0.2
K = 100

L = 16
NS = 16
ROWS = 320
NV = ROWS // L
NP = NS * ROWS
NEG = -1e30
BIG = 1 << 30
BO_PAD = 448
SC_PAD = 112



def _nms_kernel(sc_hbm, bx_hbm,
                bo_hbm, so_hbm, lo_hbm,
                scv, bxv, x1v, y1v, x2v, y2v, arv, candv, labv,
                pubv, rbv, obv, osv, olv, sem, shared):
    sid = lax.axis_index("s")
    rb = jnp.minimum(sid * ROWS, N - ROWS)
    base = sid * ROWS
    lanes = lax.iota(jnp.int32, L)
    zf = jnp.zeros((L,), jnp.float32)
    zi = jnp.zeros((L,), jnp.int32)
    negv = jnp.full((L,), NEG, jnp.float32)
    bigv = jnp.full((L,), BIG, jnp.int32)

    d1 = pltpu.async_copy(sc_hbm.at[pl.ds(rb * C, ROWS * C)], scv, sem)
    d2 = pltpu.async_copy(bx_hbm.at[pl.ds(rb * 4, ROWS * 4)], bxv, sem)

    def zero_b(j, _):
        obv[pl.ds(j * L, L)] = zf
        return 0
    lax.fori_loop(0, BO_PAD // L, zero_b, 0)

    def zero_s(j, _):
        osv[pl.ds(j * L, L)] = zf
        olv[pl.ds(j * L, L)] = zi
        return 0
    lax.fori_loop(0, SC_PAD // L, zero_s, 0)

    d1.wait()
    d2.wait()

    def top2_update(st, v, idx):
        bS1, bI1, bS2, bI2 = st
        take1 = v > bS1
        take2 = (v > bS2) & (~take1)
        nS2 = jnp.where(take1, bS1, jnp.where(take2, v, bS2))
        nI2 = jnp.where(take1, bI1, jnp.where(take2, idx, bI2))
        nS1 = jnp.where(take1, v, bS1)
        nI1 = jnp.where(take1, idx, bI1)
        return (nS1, nI1, nS2, nI2)

    def grp(g, _):
        row_off = g * (L * C) + lanes * C

        def cls(c8, MA):
            M, A = MA
            for dc in range(8):
                c = c8 * 8 + dc
                v = plsc.load_gather(scv, [row_off + c])
                take = v > M
                M = jnp.where(take, v, M)
                A = jnp.where(take, jnp.full((L,), c, jnp.int32), A)
            return (M, A)

        M, A = lax.fori_loop(0, C // 8, cls,
                             (jnp.full((L,), NEG, jnp.float32), zi))
        sl = pl.ds(g * L, L)
        bo4 = (g * L + lanes) * 4
        x1 = plsc.load_gather(bxv, [bo4])
        y1 = plsc.load_gather(bxv, [bo4 + 1])
        x2 = plsc.load_gather(bxv, [bo4 + 2])
        y2 = plsc.load_gather(bxv, [bo4 + 3])
        x1v[sl] = x1
        y1v[sl] = y1
        x2v[sl] = x2
        y2v[sl] = y2
        arv[sl] = (x2 - x1) * (y2 - y1)
        validrow = (rb + g * L + lanes) >= base
        candv[sl] = jnp.where(validrow & (M > THR), M, negv)
        labv[sl] = A
        return 0
    lax.fori_loop(0, NV, grp, 0)

    def cond(st):
        return st[1]

    def body(st):
        k0, _ = st

        def scan(j2, nst):
            for dj in range(2):
                j = j2 * 2 + dj
                nst = top2_update(nst, candv[pl.ds(j * L, L)],
                                  jnp.full((L,), j * L, jnp.int32) + lanes)
            return nst

        bS1, bI1, bS2, bI2 = lax.fori_loop(
            0, NV // 2, scan,
            (jnp.full((L,), NEG, jnp.float32), bigv,
             jnp.full((L,), NEG, jnp.float32), bigv))

        M1 = jnp.max(bS1)
        li1 = jnp.min(jnp.where(bS1 == M1, bI1, bigv))
        match = (bS1 == M1) & (bI1 == li1)
        bS1m = jnp.where(match, bS2, bS1)
        bI1m = jnp.where(match, bI2, bI1)
        M2 = jnp.max(bS1m)
        li2 = jnp.min(jnp.where(bS1m == M2, bI1m, bigv))
        li1c = jnp.clip(li1, 0, ROWS - 1)
        li2c = jnp.clip(li2, 0, ROWS - 1)

        l1v = jnp.full((L,), li1c, jnp.int32)
        l2v = jnp.full((L,), li2c, jnp.int32)
        a_x1 = plsc.load_gather(x1v, [l1v])
        a_y1 = plsc.load_gather(y1v, [l1v])
        a_x2 = plsc.load_gather(x2v, [l1v])
        a_y2 = plsc.load_gather(y2v, [l1v])
        a_ar = plsc.load_gather(arv, [l1v])
        a_lb = plsc.load_gather(labv, [l1v])
        b_x1 = plsc.load_gather(x1v, [l2v])
        b_y1 = plsc.load_gather(y1v, [l2v])
        b_x2 = plsc.load_gather(x2v, [l2v])
        b_y2 = plsc.load_gather(y2v, [l2v])
        b_ar = plsc.load_gather(arv, [l2v])
        b_lb = plsc.load_gather(labv, [l2v])

        pub = jnp.full((L,), M1, jnp.float32)
        pk1 = jnp.full((L,), sid * 65536 + li1c, jnp.int32)
        pk2 = jnp.full((L,), sid * 65536 + li2c, jnp.int32)
        pub = jnp.where(lanes == 1, plsc.bitcast(pk1, jnp.float32), pub)
        pub = jnp.where(lanes == 2, a_x1, pub)
        pub = jnp.where(lanes == 3, a_y1, pub)
        pub = jnp.where(lanes == 4, a_x2, pub)
        pub = jnp.where(lanes == 5, a_y2, pub)
        pub = jnp.where(lanes == 6, plsc.bitcast(a_lb, jnp.float32), pub)
        pub = jnp.where(lanes == 7, a_ar, pub)
        pub = jnp.where(lanes == 8, jnp.full((L,), M2, jnp.float32), pub)
        pub = jnp.where(lanes == 9, plsc.bitcast(pk2, jnp.float32), pub)
        pub = jnp.where(lanes == 10, b_x1, pub)
        pub = jnp.where(lanes == 11, b_y1, pub)
        pub = jnp.where(lanes == 12, b_x2, pub)
        pub = jnp.where(lanes == 13, b_y2, pub)
        pub = jnp.where(lanes == 14, plsc.bitcast(b_lb, jnp.float32), pub)
        pub = jnp.where(lanes == 15, b_ar, pub)
        pubv[...] = pub

        par = lax.rem(k0, 2)
        pltpu.sync_copy(pubv, shared.at[pl.ds(par * (NS * L) + sid * L, L)])
        plsc.subcore_barrier()
        pltpu.sync_copy(shared.at[pl.ds(par * (NS * L), NS * L)], rbv)

        def col(c):
            return plsc.load_gather(rbv, [lanes * L + c])

        s_a = col(0)
        p_a = plsc.bitcast(col(1), jnp.int32)
        ax1 = col(2)
        ay1 = col(3)
        ax2 = col(4)
        ay2 = col(5)
        aar = col(7)
        s_b = col(8)
        p_b = plsc.bitcast(col(9), jnp.int32)
        bx1 = col(10)
        by1 = col(11)
        bx2 = col(12)
        by2 = col(13)
        bar = col(15)

        dead_a0 = ~(s_a > -1e29)
        dead_b0 = ~(s_b > -1e29)

        def ex_cond(est):
            return est[0]

        def ex_body(est):
            _, k, dead_a, dead_b = est

            ma = jnp.where(dead_a, negv, s_a)
            mb = jnp.where(dead_b, negv, s_b)
            M = jnp.max(jnp.maximum(ma, mb))
            Mv = jnp.full((L,), M, jnp.float32)
            pa = jnp.where((~dead_a) & (s_a == Mv), p_a, bigv)
            pb = jnp.where((~dead_b) & (s_b == Mv), p_b, bigv)
            pw = jnp.min(jnp.minimum(pa, pb))
            pwv = jnp.full((L,), pw, jnp.int32)
            got = M > -1e29
            bothdead = dead_a & dead_b
            outrank = (s_b > Mv) | ((s_b == Mv) & (p_b < pwv))
            viol = jnp.max((bothdead & outrank).astype(jnp.int32)) > 0
            accept = got & (~viol) & (k < K)

            is_w_a = (~dead_a) & (s_a == Mv) & (p_a == pwv)
            is_w_b = (~dead_b) & (s_b == Mv) & (p_b == pwv)
            from_b = jnp.max(is_w_b.astype(jnp.int32)) > 0

            wsid = jnp.clip(jnp.right_shift(pw, 16), 0, NS - 1)
            wrb = jnp.minimum(wsid * ROWS, N - ROWS)
            srow = wsid * L + jnp.where(from_b, 8, 0)
            sr = jnp.full((L,), srow, jnp.int32)
            X1v = plsc.load_gather(rbv, [sr + 2])
            Y1v = plsc.load_gather(rbv, [sr + 3])
            X2v = plsc.load_gather(rbv, [sr + 4])
            Y2v = plsc.load_gather(rbv, [sr + 5])
            LBv = plsc.bitcast(plsc.load_gather(rbv, [sr + 6]), jnp.int32)
            WAv = plsc.load_gather(rbv, [sr + 7])
            iwv = jnp.full((L,), (pw & 0xFFFF) + wrb, jnp.int32)
            acc_v = jnp.full((L,), accept, jnp.bool_)

            def board_iou(ex1, ey1, ex2, ey2, ear):
                xx1 = jnp.maximum(ex1, X1v)
                yy1 = jnp.maximum(ey1, Y1v)
                xx2 = jnp.minimum(ex2, X2v)
                yy2 = jnp.minimum(ey2, Y2v)
                inter = (jnp.maximum(xx2 - xx1, 0.0) *
                         jnp.maximum(yy2 - yy1, 0.0))
                union = WAv + ear - inter
                return inter / (union + 1e-8)

            kill_a = acc_v & (is_w_a | (board_iou(ax1, ay1, ax2, ay2, aar)
                                        >= IOU_THR))
            kill_b = acc_v & (is_w_b | (board_iou(bx1, by1, bx2, by2, bar)
                                        >= IOU_THR))
            dead_a = dead_a | kill_a
            dead_b = dead_b | kill_b

            @pl.when(accept)
            def _():
                def sweep(j4, _):
                    for dj in range(4):
                        j = j4 * 4 + dj
                        sl = pl.ds(j * L, L)
                        xx1 = jnp.maximum(x1v[sl], X1v)
                        yy1 = jnp.maximum(y1v[sl], Y1v)
                        xx2 = jnp.minimum(x2v[sl], X2v)
                        yy2 = jnp.minimum(y2v[sl], Y2v)
                        inter = (jnp.maximum(xx2 - xx1, 0.0) *
                                 jnp.maximum(yy2 - yy1, 0.0))
                        union = WAv + arv[sl] - inter
                        iou = inter / (union + 1e-8)
                        gi = rb + j * L + lanes
                        kill = (iou >= IOU_THR) | (gi == iwv)
                        candv[sl] = jnp.where(kill, negv, candv[sl])
                    return 0
                lax.fori_loop(0, NV // 4, sweep, 0)

            @pl.when(accept & (sid == 0))
            def _():
                bvals = X1v
                bvals = jnp.where(lanes == 1, Y1v, bvals)
                bvals = jnp.where(lanes == 2, X2v, bvals)
                bvals = jnp.where(lanes == 3, Y2v, bvals)
                plsc.store_scatter(obv, [4 * k + lanes], bvals,
                                   mask=lanes < 4)
                kv = jnp.full((L,), k, jnp.int32)
                plsc.store_scatter(osv, [kv], jnp.full((L,), M, jnp.float32),
                                   mask=lanes == 0)
                plsc.store_scatter(olv, [kv], LBv, mask=lanes == 0)

            k = k + accept.astype(jnp.int32)
            return (accept, k, dead_a, dead_b)

        est = lax.while_loop(ex_cond, ex_body,
                             (jnp.bool_(True), k0, dead_a0, dead_b0))
        k1 = est[1]
        cont = (k1 > k0) & (k1 < K)
        return (k1, cont)

    lax.while_loop(cond, body, (jnp.int32(0), jnp.bool_(True)))

    @pl.when(sid == 0)
    def _():
        pltpu.sync_copy(obv, bo_hbm)
        pltpu.sync_copy(osv, so_hbm)
        pltpu.sync_copy(olv, lo_hbm)


@functools.partial(
    pl.kernel,
    out_type=(
        jax.ShapeDtypeStruct((BO_PAD,), jnp.float32),
        jax.ShapeDtypeStruct((SC_PAD,), jnp.float32),
        jax.ShapeDtypeStruct((SC_PAD,), jnp.int32),
    ),
    mesh=plsc.VectorSubcoreMesh(
        core_axis_name="c", subcore_axis_name="s",
        num_cores=1, num_subcores=NS),
    compiler_params=pltpu.CompilerParams(needs_layout_passes=False),
    scratch_types=[
        pltpu.VMEM((ROWS * C,), jnp.float32),
        pltpu.VMEM((ROWS * 4,), jnp.float32),
        pltpu.VMEM((ROWS,), jnp.float32),
        pltpu.VMEM((ROWS,), jnp.float32),
        pltpu.VMEM((ROWS,), jnp.float32),
        pltpu.VMEM((ROWS,), jnp.float32),
        pltpu.VMEM((ROWS,), jnp.float32),
        pltpu.VMEM((ROWS,), jnp.float32),
        pltpu.VMEM((ROWS,), jnp.int32),
        pltpu.VMEM((L,), jnp.float32),
        pltpu.VMEM((NS * L,), jnp.float32),
        pltpu.VMEM((BO_PAD,), jnp.float32),
        pltpu.VMEM((SC_PAD,), jnp.float32),
        pltpu.VMEM((SC_PAD,), jnp.int32),
        pltpu.SemaphoreType.DMA,
        pltpu.VMEM_SHARED((2 * NS * L,), jnp.float32),
    ],
)
def _nms_call(sc_hbm, bx_hbm, bo_hbm, so_hbm, lo_hbm, *scratch):
    _nms_kernel(sc_hbm, bx_hbm, bo_hbm, so_hbm, lo_hbm, *scratch)


@jax.jit
def kernel(boxes, scores):
    bo, so, lo = _nms_call(scores.reshape(-1), boxes.reshape(-1))
    return (bo[:4 * K].reshape(1, K, 4), so[:K][None], lo[:K][None])

# --- scband reference (transcript-rebuilt; emitter-appended) ---
"""Pipeline reference for scband-efficient-det-onnxmodel-8117488190244 (READ-ONLY COPY).

The authoritative reference and input builder live on the scoring server;
editing this copy changes nothing except your own understanding.
"""

import jax, jax.numpy as jnp
import numpy as np

N = 5000
NUM_CLASSES = 80
THRESHOLD = 0.2
IOU_THRESHOLD = 0.2
MAX_OUT = 100


def setup_inputs(seed: int = 0) -> dict:
    key = jax.random.key(seed)
    k1, k2, k3 = jax.random.split(key, 3)
    # boxes built from fill=rand, transformed to valid (x1,y1,x2,y2) corners in a ~768px image
    xy = jax.random.uniform(k1, (N, 2), dtype=jnp.float32) * 700.0
    wh = jax.random.uniform(k2, (N, 2), dtype=jnp.float32) * 80.0 + 1.0
    boxes = jnp.concatenate([xy, xy + wh], axis=-1)
    # scores emulate post-sigmoid per-class classification probs in [0,1]
    scores = jax.random.uniform(k3, (N, NUM_CLASSES), dtype=jnp.float32)
    return {"boxes": boxes, "scores": scores}


def _pairwise_iou(b):
    x1 = jnp.maximum(b[:, None, 0], b[None, :, 0])
    y1 = jnp.maximum(b[:, None, 1], b[None, :, 1])
    x2 = jnp.minimum(b[:, None, 2], b[None, :, 2])
    y2 = jnp.minimum(b[:, None, 3], b[None, :, 3])
    inter = jnp.clip(x2 - x1, 0.0) * jnp.clip(y2 - y1, 0.0)
    area = (b[:, 2] - b[:, 0]) * (b[:, 3] - b[:, 1])
    union = area[:, None] + area[None, :] - inter
    return inter / (union + 1e-8)


def _nms_select(boxes, max_scores):
    # Greedy NMS identical to the torch while-loop, expressed as a fixed-trip
    # sequential suppression over score-sorted boxes. Returns int/bool only.
    n = boxes.shape[0]
    order = jnp.argsort(-max_scores)
    b = boxes[order]
    valid = max_scores[order] > THRESHOLD  # score-threshold pre-filter from forward()
    ious = _pairwise_iou(b)
    idxs = jnp.arange(n)

    def body(i, keep):
        sup = (ious[i] >= IOU_THRESHOLD) & (idxs > i) & keep[i]
        return keep & (~sup)

    keep = jax.lax.fori_loop(0, n, body, valid)
    rank = jnp.where(keep, idxs, n)
    sel = jnp.sort(rank)[:MAX_OUT]
    ok = sel < n
    sel = jnp.clip(sel, 0, n - 1)
    kept_idx = order[sel]
    return kept_idx, ok


def reference(boxes, scores):
    max_scores = jnp.max(scores, axis=1)
    labels = jnp.argmax(scores, axis=1)
    kept_idx, ok = _nms_select(boxes, max_scores)
    boxes_out = boxes[kept_idx] * ok[:, None].astype(boxes.dtype)
    scores_out = max_scores[kept_idx] * ok.astype(boxes.dtype)
    labels_out = jnp.where(ok, labels[kept_idx], 0)
    # fixed-size analogue of (boxes[1,K,4], scores[1,K], labels[1,K])
    return boxes_out[None], scores_out[None], labels_out[None]

if __name__ == "__main__":
    import jax
    _d = setup_inputs()
    print(jax.jit(kernel)(*tuple(_d.values())))

</pallas_src>

<mosaic_0001>
#map = affine_map<(d0, d1) -> (0)>
module attributes {stable_mosaic.version = 14 : i64} {
  func.func @_nms_call(%arg0: i32, %arg1: i32, %arg2: memref<400000xf32, #tpu.memory_space<hbm>>, %arg3: memref<20000xf32, #tpu.memory_space<hbm>>, %arg4: memref<448xf32, #tpu.memory_space<hbm>>, %arg5: memref<112xf32, #tpu.memory_space<hbm>>, %arg6: memref<112xi32, #tpu.memory_space<hbm>>, %arg7: memref<25600xf32, #tpu.memory_space<vmem>>, %arg8: memref<1280xf32, #tpu.memory_space<vmem>>, %arg9: memref<320xf32, #tpu.memory_space<vmem>>, %arg10: memref<320xf32, #tpu.memory_space<vmem>>, %arg11: memref<320xf32, #tpu.memory_space<vmem>>, %arg12: memref<320xf32, #tpu.memory_space<vmem>>, %arg13: memref<320xf32, #tpu.memory_space<vmem>>, %arg14: memref<320xf32, #tpu.memory_space<vmem>>, %arg15: memref<320xi32, #tpu.memory_space<vmem>>, %arg16: memref<16xf32, #tpu.memory_space<vmem>>, %arg17: memref<256xf32, #tpu.memory_space<vmem>>, %arg18: memref<448xf32, #tpu.memory_space<vmem>>, %arg19: memref<112xf32, #tpu.memory_space<vmem>>, %arg20: memref<112xi32, #tpu.memory_space<vmem>>, %arg21: memref<!tpu.dma_semaphore, #tpu.memory_space<semaphore_mem>>, %arg22: memref<512xf32, #tpu.memory_space<vmem_shared>>) attributes {dimension_semantics = [#tpu.dimension_semantics<core_parallel>, #tpu.dimension_semantics<subcore_parallel>], iteration_bounds = array<i64: 1, 16>, scalar_prefetch = 0 : i64, scratch_operands = 16 : i64, tpu.core_type = #tpu.core_type<sc_vector_subcore>, window_params = [{transform_indices = #map}, {transform_indices = #map}, {transform_indices = #map}, {transform_indices = #map}, {transform_indices = #map}]} {
    %mul3A = arith.constant 320 : i32
    %mul3A_0 = arith.muli %arg1, %mul3A : i32
    %min3A = arith.constant 4680 : i32
    %min3A_1 = arith.minsi %mul3A_0, %min3A : i32
    %mul3A_2 = arith.constant 320 : i32
    %mul3A_3 = arith.muli %arg1, %mul3A_2 : i32
    %iota3A = tpu.iota {dimensions = array<i32: 0>} : vector<16xi32>
    %broadcast_in_dim3A = arith.constant 0.000000e+00 : f32
    %broadcast_in_dim3A_4 = vector.broadcast %broadcast_in_dim3A : f32 to vector<16xf32>
    %broadcast_in_dim3A_5 = arith.constant 0 : i32
    %broadcast_in_dim3A_6 = vector.broadcast %broadcast_in_dim3A_5 : i32 to vector<16xi32>
    %broadcast_in_dim3A_7 = arith.constant -1.000000e+30 : f32
    %broadcast_in_dim3A_8 = vector.broadcast %broadcast_in_dim3A_7 : f32 to vector<16xf32>
    %broadcast_in_dim3A_9 = arith.constant 1073741824 : i32
    %broadcast_in_dim3A_10 = vector.broadcast %broadcast_in_dim3A_9 : i32 to vector<16xi32>
    %mul3A_11 = arith.constant 80 : i32
    %mul3A_12 = arith.muli %min3A_1, %mul3A_11 : i32
    %dma_start3A = tpu.memref_slice %arg2[%mul3A_12] : memref<400000xf32, #tpu.memory_space<hbm>> -> memref<25600xf32, #tpu.memory_space<hbm>>
    %dma_start3A_13 = tpu.memref_slice %arg2[%mul3A_12] : memref<400000xf32, #tpu.memory_space<hbm>> -> memref<25600xf32, #tpu.memory_space<hbm>>
    tpu.enqueue_dma source(%dma_start3A_13 : memref<25600xf32, #tpu.memory_space<hbm>>) target(%arg7 : memref<25600xf32, #tpu.memory_space<vmem>>) target_semaphore(%arg21 : memref<!tpu.dma_semaphore, #tpu.memory_space<semaphore_mem>>)
    %mul3A_14 = arith.constant 4 : i32
    %mul3A_15 = arith.muli %min3A_1, %mul3A_14 : i32
    %dma_start3A_16 = tpu.memref_slice %arg3[%mul3A_15] : memref<20000xf32, #tpu.memory_space<hbm>> -> memref<1280xf32, #tpu.memory_space<hbm>>
    %dma_start3A_17 = tpu.memref_slice %arg3[%mul3A_15] : memref<20000xf32, #tpu.memory_space<hbm>> -> memref<1280xf32, #tpu.memory_space<hbm>>
    tpu.enqueue_dma source(%dma_start3A_17 : memref<1280xf32, #tpu.memory_space<hbm>>) target(%arg8 : memref<1280xf32, #tpu.memory_space<vmem>>) target_semaphore(%arg21 : memref<!tpu.dma_semaphore, #tpu.memory_space<semaphore_mem>>)
    %scan3A = arith.constant 0 : i32
    %scan3A_18 = arith.constant 0 : i32
    %scan3A_19 = arith.constant 28 : i32
    %scan3A_20 = arith.addi %scan3A_18, %scan3A_19 : i32
    %scan3A_21 = arith.constant 1 : i32
    %scan3A_22 = scf.for %scan3A_45 = %scan3A_18 to %scan3A_20 step %scan3A_21 iter_args(%scan3A_46 = %scan3A) -> (i32)  : i32 {
      %mul3A_47 = arith.constant 16 : i32
      %mul3A_48 = arith.muli %scan3A_45, %mul3A_47 : i32
      %swap3A = arith.index_cast %mul3A_48 : i32 to index
      %swap3A_49 = tpu.vector_load %arg18[%swap3A] {strides = array<i32>} : memref<448xf32, #tpu.memory_space<vmem>>, vector<16xf32>,
      tpu.vector_store %arg18[%swap3A], %broadcast_in_dim3A_4 {strides = array<i32>} : memref<448xf32, #tpu.memory_space<vmem>>, vector<16xf32>,
      %scan3A_50 = arith.constant 0 : i32
      scf.yield %scan3A_50 : i32
    }
    %scan3A_23 = arith.constant 28 : i32
    %scan3A_24 = arith.constant 0 : i32
    %scan3A_25 = arith.constant 0 : i32
    %scan3A_26 = arith.constant 7 : i32
    %scan3A_27 = arith.addi %scan3A_25, %scan3A_26 : i32
    %scan3A_28 = arith.constant 1 : i32
    %scan3A_29 = scf.for %scan3A_45 = %scan3A_25 to %scan3A_27 step %scan3A_28 iter_args(%scan3A_46 = %scan3A_24) -> (i32)  : i32 {
      %mul3A_47 = arith.constant 16 : i32
      %mul3A_48 = arith.muli %scan3A_45, %mul3A_47 : i32
      %swap3A = arith.index_cast %mul3A_48 : i32 to index
      %swap3A_49 = tpu.vector_load %arg19[%swap3A] {strides = array<i32>} : memref<112xf32, #tpu.memory_space<vmem>>, vector<16xf32>,
      tpu.vector_store %arg19[%swap3A], %broadcast_in_dim3A_4 {strides = array<i32>} : memref<112xf32, #tpu.memory_space<vmem>>, vector<16xf32>,
      %mul3A_50 = arith.constant 16 : i32
      %mul3A_51 = arith.muli %scan3A_45, %mul3A_50 : i32
      %swap3A_52 = arith.index_cast %mul3A_51 : i32 to index
      %swap3A_53 = tpu.vector_load %arg20[%swap3A_52] {strides = array<i32>} : memref<112xi32, #tpu.memory_space<vmem>>, vector<16xi32>,
      tpu.vector_store %arg20[%swap3A_52], %broadcast_in_dim3A_6 {strides = array<i32>} : memref<112xi32, #tpu.memory_space<vmem>>, vector<16xi32>,
      %scan3A_54 = arith.constant 0 : i32
      scf.yield %scan3A_54 : i32
    }
    %scan3A_30 = arith.constant 7 : i32
    %dma_wait3A = tpu.memref_slice %arg2[%mul3A_12] : memref<400000xf32, #tpu.memory_space<hbm>> -> memref<25600xf32, #tpu.memory_space<hbm>>
    %dma_wait3A_31 = tpu.memref_slice %arg2[%mul3A_12] : memref<400000xf32, #tpu.memory_space<hbm>> -> memref<25600xf32, #tpu.memory_space<hbm>>
    tpu.wait_dma2 semaphore(%arg21 : memref<!tpu.dma_semaphore, #tpu.memory_space<semaphore_mem>>) src(%dma_wait3A_31 : memref<25600xf32, #tpu.memory_space<hbm>>) dst(%arg7 : memref<25600xf32, #tpu.memory_space<vmem>>)
    %dma_wait3A_32 = tpu.memref_slice %arg3[%mul3A_15] : memref<20000xf32, #tpu.memory_space<hbm>> -> memref<1280xf32, #tpu.memory_space<hbm>>
    %dma_wait3A_33 = tpu.memref_slice %arg3[%mul3A_15] : memref<20000xf32, #tpu.memory_space<hbm>> -> memref<1280xf32, #tpu.memory_space<hbm>>
    tpu.wait_dma2 semaphore(%arg21 : memref<!tpu.dma_semaphore, #tpu.memory_space<semaphore_mem>>) src(%dma_wait3A_33 : memref<1280xf32, #tpu.memory_space<hbm>>) dst(%arg8 : memref<1280xf32, #tpu.memory_space<vmem>>)
    %scan3A_34 = arith.constant 0 : i32
    %scan3A_35 = arith.constant 0 : i32
    %scan3A_36 = arith.constant 20 : i32
    %scan3A_37 = arith.addi %scan3A_35, %scan3A_36 : i32
    %scan3A_38 = arith.constant 1 : i32
    %scan3A_39 = scf.for %scan3A_45 = %scan3A_35 to %scan3A_37 step %scan3A_38 iter_args(%scan3A_46 = %scan3A_34) -> (i32)  : i32 {
      %mul3A_47 = arith.constant 1280 : i32
      %mul3A_48 = arith.muli %scan3A_45, %mul3A_47 : i32
      %mul3A_49 = arith.constant 80 : i32
      %mul3A_50 = vector.broadcast %mul3A_49 : i32 to vector<16xi32>
      %mul3A_51 = arith.muli %iota3A, %mul3A_50 : vector<16xi32>
      %add3A = vector.broadcast %mul3A_48 : i32 to vector<16xi32>
      %add3A_52 = arith.addi %add3A, %mul3A_51 : vector<16xi32>
      %broadcast_in_dim3A_53 = arith.constant -1.000000e+30 : f32
      %broadcast_in_dim3A_54 = vector.broadcast %broadcast_in_dim3A_53 : f32 to vector<16xf32>
      %scan3A_55 = arith.constant 0 : i32
      %scan3A_56 = arith.constant 10 : i32
      %scan3A_57 = arith.addi %scan3A_55, %scan3A_56 : i32
      %scan3A_58 = arith.constant 1 : i32
      %scan3A_59:2 = scf.for %scan3A_106 = %scan3A_55 to %scan3A_57 step %scan3A_58 iter_args(%scan3A_107 = %broadcast_in_dim3A_54, %scan3A_108 = %broadcast_in_dim3A_6) -> (vector<16xf32>, vector<16xi32>)  : i32 {
        %mul3A_109 = arith.constant 8 : i32
        %mul3A_110 = arith.muli %scan3A_106, %mul3A_109 : i32
        %add3A_111 = arith.constant 0 : i32
        %add3A_112 = arith.addi %mul3A_110, %add3A_111 : i32
        %add3A_113 = vector.broadcast %add3A_112 : i32 to vector<16xi32>
        %add3A_114 = arith.addi %add3A_52, %add3A_113 : vector<16xi32>
        %gather3A_115 = tpu.vector_load_idx %arg7[%add3A_114] : memref<25600xf32, #tpu.memory_space<vmem>>[vector<16xi32>], vector<16xf32>,
        %gt3A_116 = arith.cmpf ogt, %gather3A_115, %scan3A_107 : vector<16xf32>
        %select_n3A_117 = arith.select %gt3A_116, %gather3A_115, %scan3A_107 : vector<16xi1>, vector<16xf32>
        %broadcast_in_dim3A_118 = vector.broadcast %add3A_112 : i32 to vector<16xi32>
        %select_n3A_119 = arith.select %gt3A_116, %broadcast_in_dim3A_118, %scan3A_108 : vector<16xi1>, vector<16xi32>
        %mul3A_120 = arith.constant 8 : i32
        %mul3A_121 = arith.muli %scan3A_106, %mul3A_120 : i32
        %add3A_122 = arith.constant 1 : i32
        %add3A_123 = arith.addi %mul3A_121, %add3A_122 : i32
        %add3A_124 = vector.broadcast %add3A_123 : i32 to vector<16xi32>
        %add3A_125 = arith.addi %add3A_52, %add3A_124 : vector<16xi32>
        %gather3A_126 = tpu.vector_load_idx %arg7[%add3A_125] : memref<25600xf32, #tpu.memory_space<vmem>>[vector<16xi32>], vector<16xf32>,
        %gt3A_127 = arith.cmpf ogt, %gather3A_126, %select_n3A_117 : vector<16xf32>
        %select_n3A_128 = arith.select %gt3A_127, %gather3A_126, %select_n3A_117 : vector<16xi1>, vector<16xf32>
        %broadcast_in_dim3A_129 = vector.broadcast %add3A_123 : i32 to vector<16xi32>
        %select_n3A_130 = arith.select %gt3A_127, %broadcast_in_dim3A_129, %select_n3A_119 : vector<16xi1>, vector<16xi32>
        %mul3A_131 = arith.constant 8 : i32
        %mul3A_132 = arith.muli %scan3A_106, %mul3A_131 : i32
        %add3A_133 = arith.constant 2 : i32
        %add3A_134 = arith.addi %mul3A_132, %add3A_133 : i32
        %add3A_135 = vector.broadcast %add3A_134 : i32 to vector<16xi32>
        %add3A_136 = arith.addi %add3A_52, %add3A_135 : vector<16xi32>
        %gather3A_137 = tpu.vector_load_idx %arg7[%add3A_136] : memref<25600xf32, #tpu.memory_space<vmem>>[vector<16xi32>], vector<16xf32>,
        %gt3A_138 = arith.cmpf ogt, %gather3A_137, %select_n3A_128 : vector<16xf32>
        %select_n3A_139 = arith.select %gt3A_138, %gather3A_137, %select_n3A_128 : vector<16xi1>, vector<16xf32>
        %broadcast_in_dim3A_140 = vector.broadcast %add3A_134 : i32 to vector<16xi32>
        %select_n3A_141 = arith.select %gt3A_138, %broadcast_in_dim3A_140, %select_n3A_130 : vector<16xi1>, vector<16xi32>
        %mul3A_142 = arith.constant 8 : i32
        %mul3A_143 = arith.muli %scan3A_106, %mul3A_142 : i32
        %add3A_144 = arith.constant 3 : i32
        %add3A_145 = arith.addi %mul3A_143, %add3A_144 : i32
        %add3A_146 = vector.broadcast %add3A_145 : i32 to vector<16xi32>
        %add3A_147 = arith.addi %add3A_52, %add3A_146 : vector<16xi32>
        %gather3A_148 = tpu.vector_load_idx %arg7[%add3A_147] : memref<25600xf32, #tpu.memory_space<vmem>>[vector<16xi32>], vector<16xf32>,
        %gt3A_149 = arith.cmpf ogt, %gather3A_148, %select_n3A_139 : vector<16xf32>
        %select_n3A_150 = arith.select %gt3A_149, %gather3A_148, %select_n3A_139 : vector<16xi1>, vector<16xf32>
        %broadcast_in_dim3A_151 = vector.broadcast %add3A_145 : i32 to vector<16xi32>
        %select_n3A_152 = arith.select %gt3A_149, %broadcast_in_dim3A_151, %select_n3A_141 : vector<16xi1>, vector<16xi32>
        %mul3A_153 = arith.constant 8 : i32
        %mul3A_154 = arith.muli %scan3A_106, %mul3A_153 : i32
        %add3A_155 = arith.constant 4 : i32
        %add3A_156 = arith.addi %mul3A_154, %add3A_155 : i32
        %add3A_157 = vector.broadcast %add3A_156 : i32 to vector<16xi32>
        %add3A_158 = arith.addi %add3A_52, %add3A_157 : vector<16xi32>
        %gather3A_159 = tpu.vector_load_idx %arg7[%add3A_158] : memref<25600xf32, #tpu.memory_space<vmem>>[vector<16xi32>], vector<16xf32>,
        %gt3A_160 = arith.cmpf ogt, %gather3A_159, %select_n3A_150 : vector<16xf32>
        %select_n3A_161 = arith.select %gt3A_160, %gather3A_159, %select_n3A_150 : vector<16xi1>, vector<16xf32>
        %broadcast_in_dim3A_162 = vector.broadcast %add3A_156 : i32 to vector<16xi32>
        %select_n3A_163 = arith.select %gt3A_160, %broadcast_in_dim3A_162, %select_n3A_152 : vector<16xi1>, vector<16xi32>
        %mul3A_164 = arith.constant 8 : i32
        %mul3A_165 = arith.muli %scan3A_106, %mul3A_164 : i32
        %add3A_166 = arith.constant 5 : i32
        %add3A_167 = arith.addi %mul3A_165, %add3A_166 : i32
        %add3A_168 = vector.broadcast %add3A_167 : i32 to vector<16xi32>
        %add3A_169 = arith.addi %add3A_52, %add3A_168 : vector<16xi32>
        %gather3A_170 = tpu.vector_load_idx %arg7[%add3A_169] : memref<25600xf32, #tpu.memory_space<vmem>>[vector<16xi32>], vector<16xf32>,
        %gt3A_171 = arith.cmpf ogt, %gather3A_170, %select_n3A_161 : vector<16xf32>
        %select_n3A_172 = arith.select %gt3A_171, %gather3A_170, %select_n3A_161 : vector<16xi1>, vector<16xf32>
        %broadcast_in_dim3A_173 = vector.broadcast %add3A_167 : i32 to vector<16xi32>
        %select_n3A_174 = arith.select %gt3A_171, %broadcast_in_dim3A_173, %select_n3A_163 : vector<16xi1>, vector<16xi32>
        %mul3A_175 = arith.constant 8 : i32
        %mul3A_176 = arith.muli %scan3A_106, %mul3A_175 : i32
        %add3A_177 = arith.constant 6 : i32
        %add3A_178 = arith.addi %mul3A_176, %add3A_177 : i32
        %add3A_179 = vector.broadcast %add3A_178 : i32 to vector<16xi32>
        %add3A_180 = arith.addi %add3A_52, %add3A_179 : vector<16xi32>
        %gather3A_181 = tpu.vector_load_idx %arg7[%add3A_180] : memref<25600xf32, #tpu.memory_space<vmem>>[vector<16xi32>], vector<16xf32>,
        %gt3A_182 = arith.cmpf ogt, %gather3A_181, %select_n3A_172 : vector<16xf32>
        %select_n3A_183 = arith.select %gt3A_182, %gather3A_181, %select_n3A_172 : vector<16xi1>, vector<16xf32>
        %broadcast_in_dim3A_184 = vector.broadcast %add3A_178 : i32 to vector<16xi32>
        %select_n3A_185 = arith.select %gt3A_182, %broadcast_in_dim3A_184, %select_n3A_174 : vector<16xi1>, vector<16xi32>
        %mul3A_186 = arith.constant 8 : i32
        %mul3A_187 = arith.muli %scan3A_106, %mul3A_186 : i32
        %add3A_188 = arith.constant 7 : i32
        %add3A_189 = arith.addi %mul3A_187, %add3A_188 : i32
        %add3A_190 = vector.broadcast %add3A_189 : i32 to vector<16xi32>
        %add3A_191 = arith.addi %add3A_52, %add3A_190 : vector<16xi32>
        %gather3A_192 = tpu.vector_load_idx %arg7[%add3A_191] : memref<25600xf32, #tpu.memory_space<vmem>>[vector<16xi32>], vector<16xf32>,
        %gt3A_193 = arith.cmpf ogt, %gather3A_192, %select_n3A_183 : vector<16xf32>
        %select_n3A_194 = arith.select %gt3A_193, %gather3A_192, %select_n3A_183 : vector<16xi1>, vector<16xf32>
        %broadcast_in_dim3A_195 = vector.broadcast %add3A_189 : i32 to vector<16xi32>
        %select_n3A_196 = arith.select %gt3A_193, %broadcast_in_dim3A_195, %select_n3A_185 : vector<16xi1>, vector<16xi32>
        scf.yield %select_n3A_194, %select_n3A_196 : vector<16xf32>, vector<16xi32>
      }
      %scan3A_60 = arith.constant 10 : i32
      %mul3A_61 = arith.constant 16 : i32
      %mul3A_62 = arith.muli %scan3A_45, %mul3A_61 : i32
      %mul3A_63 = arith.constant 16 : i32
      %mul3A_64 = arith.muli %scan3A_45, %mul3A_63 : i32
      %add3A_65 = vector.broadcast %mul3A_64 : i32 to vector<16xi32>
      %add3A_66 = arith.addi %add3A_65, %iota3A : vector<16xi32>
      %mul3A_67 = arith.constant 4 : i32
      %mul3A_68 = vector.broadcast %mul3A_67 : i32 to vector<16xi32>
      %mul3A_69 = arith.muli %add3A_66, %mul3A_68 : vector<16xi32>
      %gather3A = tpu.vector_load_idx %arg8[%mul3A_69] : memref<1280xf32, #tpu.memory_space<vmem>>[vector<16xi32>], vector<16xf32>,
      %add3A_70 = arith.constant 1 : i32
      %add3A_71 = vector.broadcast %add3A_70 : i32 to vector<16xi32>
      %add3A_72 = arith.addi %mul3A_69, %add3A_71 : vector<16xi32>
      %gather3A_73 = tpu.vector_load_idx %arg8[%add3A_72] : memref<1280xf32, #tpu.memory_space<vmem>>[vector<16xi32>], vector<16xf32>,
      %add3A_74 = arith.constant 2 : i32
      %add3A_75 = vector.broadcast %add3A_74 : i32 to vector<16xi32>
      %add3A_76 = arith.addi %mul3A_69, %add3A_75 : vector<16xi32>
      %gather3A_77 = tpu.vector_load_idx %arg8[%add3A_76] : memref<1280xf32, #tpu.memory_space<vmem>>[vector<16xi32>], vector<16xf32>,
      %add3A_78 = arith.constant 3 : i32
      %add3A_79 = vector.broadcast %add3A_78 : i32 to vector<16xi32>
      %add3A_80 = arith.addi %mul3A_69, %add3A_79 : vector<16xi32>
      %gather3A_81 = tpu.vector_load_idx %arg8[%add3A_80] : memref<1280xf32, #tpu.memory_space<vmem>>[vector<16xi32>], vector<16xf32>,
      %swap3A = arith.index_cast %mul3A_62 : i32 to index
      %swap3A_82 = tpu.vector_load %arg9[%swap3A] {strides = array<i32>} : memref<320xf32, #tpu.memory_space<vmem>>, vector<16xf32>,
      tpu.vector_store %arg9[%swap3A], %gather3A {strides = array<i32>} : memref<320xf32, #tpu.memory_space<vmem>>, vector<16xf32>,
      %swap3A_83 = arith.index_cast %mul3A_62 : i32 to index
      %swap3A_84 = tpu.vector_load %arg10[%swap3A_83] {strides = array<i32>} : memref<320xf32, #tpu.memory_space<vmem>>, vector<16xf32>,
      tpu.vector_store %arg10[%swap3A_83], %gather3A_73 {strides = array<i32>} : memref<320xf32, #tpu.memory_space<vmem>>, vector<16xf32>,
      %swap3A_85 = arith.index_cast %mul3A_62 : i32 to index
      %swap3A_86 = tpu.vector_load %arg11[%swap3A_85] {strides = array<i32>} : memref<320xf32, #tpu.memory_space<vmem>>, vector<16xf32>,
      tpu.vector_store %arg11[%swap3A_85], %gather3A_77 {strides = array<i32>} : memref<320xf32, #tpu.memory_space<vmem>>, vector<16xf32>,
      %swap3A_87 = arith.index_cast %mul3A_62 : i32 to index
      %swap3A_88 = tpu.vector_load %arg12[%swap3A_87] {strides = array<i32>} : memref<320xf32, #tpu.memory_space<vmem>>, vector<16xf32>,
      tpu.vector_store %arg12[%swap3A_87], %gather3A_81 {strides = array<i32>} : memref<320xf32, #tpu.memory_space<vmem>>, vector<16xf32>,
      %sub3A = arith.subf %gather3A_77, %gather3A : vector<16xf32>
      %sub3A_89 = arith.subf %gather3A_81, %gather3A_73 : vector<16xf32>
      %mul3A_90 = arith.mulf %sub3A, %sub3A_89 : vector<16xf32>
      %swap3A_91 = arith.index_cast %mul3A_62 : i32 to index
      %swap3A_92 = tpu.vector_load %arg13[%swap3A_91] {strides = array<i32>} : memref<320xf32, #tpu.memory_space<vmem>>, vector<16xf32>,
      tpu.vector_store %arg13[%swap3A_91], %mul3A_90 {strides = array<i32>} : memref<320xf32, #tpu.memory_space<vmem>>, vector<16xf32>,
      %mul3A_93 = arith.constant 16 : i32
      %mul3A_94 = arith.muli %scan3A_45, %mul3A_93 : i32
      %add3A_95 = arith.addi %min3A_1, %mul3A_94 : i32
      %add3A_96 = vector.broadcast %add3A_95 : i32 to vector<16xi32>
      %add3A_97 = arith.addi %add3A_96, %iota3A : vector<16xi32>
      %ge3A = vector.broadcast %mul3A_3 : i32 to vector<16xi32>
      %ge3A_98 = arith.cmpi sge, %add3A_97, %ge3A : vector<16xi32>
      %gt3A = arith.constant 2.000000e-01 : f32
      %gt3A_99 = vector.broadcast %gt3A : f32 to vector<16xf32>
      %gt3A_100 = arith.cmpf ogt, %scan3A_59#0, %gt3A_99 : vector<16xf32>
      %and3A = arith.andi %ge3A_98, %gt3A_100 : vector<16xi1>
      %select_n3A = arith.select %and3A, %scan3A_59#0, %broadcast_in_dim3A_8 : vector<16xi1>, vector<16xf32>
      %swap3A_101 = arith.index_cast %mul3A_62 : i32 to index
      %swap3A_102 = tpu.vector_load %arg14[%swap3A_101] {strides = array<i32>} : memref<320xf32, #tpu.memory_space<vmem>>, vector<16xf32>,
      tpu.vector_store %arg14[%swap3A_101], %select_n3A {strides = array<i32>} : memref<320xf32, #tpu.memory_space<vmem>>, vector<16xf32>,
      %swap3A_103 = arith.index_cast %mul3A_62 : i32 to index
      %swap3A_104 = tpu.vector_load %arg15[%swap3A_103] {strides = array<i32>} : memref<320xi32, #tpu.memory_space<vmem>>, vector<16xi32>,
      tpu.vector_store %arg15[%swap3A_103], %scan3A_59#1 {strides = array<i32>} : memref<320xi32, #tpu.memory_space<vmem>>, vector<16xi32>,
      %scan3A_105 = arith.constant 0 : i32
      scf.yield %scan3A_105 : i32
    }
    %scan3A_40 = arith.constant 20 : i32
    %while3A = arith.constant 0 : i32
    %while3A_41 = arith.constant true
    %while3A_42:2 = scf.while (%while3A_45 = %while3A, %while3A_46 = %while3A_41) : (i32, i1) -> (i32, i1) {
      scf.condition(%while3A_46) %while3A_45, %while3A_46 : i32, i1
    } do {
    ^bb0(%while3A_45: i32, %while3A_46: i1):
      %broadcast_in_dim3A_47 = arith.constant -1.000000e+30 : f32
      %broadcast_in_dim3A_48 = vector.broadcast %broadcast_in_dim3A_47 : f32 to vector<16xf32>
      %broadcast_in_dim3A_49 = arith.constant -1.000000e+30 : f32
      %broadcast_in_dim3A_50 = vector.broadcast %broadcast_in_dim3A_49 : f32 to vector<16xf32>
      %scan3A_51 = arith.constant 0 : i32
      %scan3A_52 = arith.constant 10 : i32
      %scan3A_53 = arith.addi %scan3A_51, %scan3A_52 : i32
      %scan3A_54 = arith.constant 1 : i32
      %scan3A_55:4 = scf.for %scan3A_303 = %scan3A_51 to %scan3A_53 step %scan3A_54 iter_args(%scan3A_304 = %broadcast_in_dim3A_48, %scan3A_305 = %broadcast_in_dim3A_10, %scan3A_306 = %broadcast_in_dim3A_50, %scan3A_307 = %broadcast_in_dim3A_10) -> (vector<16xf32>, vector<16xi32>, vector<16xf32>, vector<16xi32>)  : i32 {
        %mul3A_308 = arith.constant 2 : i32
        %mul3A_309 = arith.muli %scan3A_303, %mul3A_308 : i32
        %add3A_310 = arith.constant 0 : i32
        %add3A_311 = arith.addi %mul3A_309, %add3A_310 : i32
        %mul3A_312 = arith.constant 16 : i32
        %mul3A_313 = arith.muli %add3A_311, %mul3A_312 : i32
        %get3A = arith.index_cast %mul3A_313 : i32 to index
        %get3A_314 = tpu.vector_load %arg14[%get3A] {strides = array<i32>} : memref<320xf32, #tpu.memory_space<vmem>>, vector<16xf32>,
        %mul3A_315 = arith.constant 16 : i32
        %mul3A_316 = arith.muli %add3A_311, %mul3A_315 : i32
        %broadcast_in_dim3A_317 = vector.broadcast %mul3A_316 : i32 to vector<16xi32>
        %add3A_318 = arith.addi %broadcast_in_dim3A_317, %iota3A : vector<16xi32>
        %gt3A_319 = arith.cmpf ogt, %get3A_314, %scan3A_304 : vector<16xf32>
        %gt3A_320 = arith.cmpf ogt, %get3A_314, %scan3A_306 : vector<16xf32>
        %not3A_321 = arith.constant dense<true> : vector<16xi1>
        %not3A_322 = arith.xori %gt3A_319, %not3A_321 : vector<16xi1>
        %and3A_323 = arith.andi %gt3A_320, %not3A_322 : vector<16xi1>
        %select_n3A_324 = arith.select %and3A_323, %get3A_314, %scan3A_306 : vector<16xi1>, vector<16xf32>
        %select_n3A_325 = arith.select %gt3A_319, %scan3A_304, %select_n3A_324 : vector<16xi1>, vector<16xf32>
        %select_n3A_326 = arith.select %and3A_323, %add3A_318, %scan3A_307 : vector<16xi1>, vector<16xi32>
        %select_n3A_327 = arith.select %gt3A_319, %scan3A_305, %select_n3A_326 : vector<16xi1>, vector<16xi32>
        %select_n3A_328 = arith.select %gt3A_319, %get3A_314, %scan3A_304 : vector<16xi1>, vector<16xf32>
        %select_n3A_329 = arith.select %gt3A_319, %add3A_318, %scan3A_305 : vector<16xi1>, vector<16xi32>
        %mul3A_330 = arith.constant 2 : i32
        %mul3A_331 = arith.muli %scan3A_303, %mul3A_330 : i32
        %add3A_332 = arith.constant 1 : i32
        %add3A_333 = arith.addi %mul3A_331, %add3A_332 : i32
        %mul3A_334 = arith.constant 16 : i32
        %mul3A_335 = arith.muli %add3A_333, %mul3A_334 : i32
        %get3A_336 = arith.index_cast %mul3A_335 : i32 to index
        %get3A_337 = tpu.vector_load %arg14[%get3A_336] {strides = array<i32>} : memref<320xf32, #tpu.memory_space<vmem>>, vector<16xf32>,
        %mul3A_338 = arith.constant 16 : i32
        %mul3A_339 = arith.muli %add3A_333, %mul3A_338 : i32
        %broadcast_in_dim3A_340 = vector.broadcast %mul3A_339 : i32 to vector<16xi32>
        %add3A_341 = arith.addi %broadcast_in_dim3A_340, %iota3A : vector<16xi32>
        %gt3A_342 = arith.cmpf ogt, %get3A_337, %select_n3A_328 : vector<16xf32>
        %gt3A_343 = arith.cmpf ogt, %get3A_337, %select_n3A_325 : vector<16xf32>
        %not3A_344 = arith.constant dense<true> : vector<16xi1>
        %not3A_345 = arith.xori %gt3A_342, %not3A_344 : vector<16xi1>
        %and3A_346 = arith.andi %gt3A_343, %not3A_345 : vector<16xi1>
        %select_n3A_347 = arith.select %and3A_346, %get3A_337, %select_n3A_325 : vector<16xi1>, vector<16xf32>
        %select_n3A_348 = arith.select %gt3A_342, %select_n3A_328, %select_n3A_347 : vector<16xi1>, vector<16xf32>
        %select_n3A_349 = arith.select %and3A_346, %add3A_341, %select_n3A_327 : vector<16xi1>, vector<16xi32>
        %select_n3A_350 = arith.select %gt3A_342, %select_n3A_329, %select_n3A_349 : vector<16xi1>, vector<16xi32>
        %select_n3A_351 = arith.select %gt3A_342, %get3A_337, %select_n3A_328 : vector<16xi1>, vector<16xf32>
        %select_n3A_352 = arith.select %gt3A_342, %add3A_341, %select_n3A_329 : vector<16xi1>, vector<16xi32>
        scf.yield %select_n3A_351, %select_n3A_352, %select_n3A_348, %select_n3A_350 : vector<16xf32>, vector<16xi32>, vector<16xf32>, vector<16xi32>
      }
      %scan3A_56 = arith.constant 10 : i32
      %reduce_max3A = arith.constant true
      %reduce_max3A_57 = vector.broadcast %reduce_max3A : i1 to vector<16xi1>
      %reduce_max3A_58 = tpu.scan <max>, %scan3A_55#0 masked %reduce_max3A_57 : vector<16xf32>, vector<16xi1> -> vector<16xf32>
      %reduce_max3A_59 = vector.extract %reduce_max3A_58[15] : f32 from vector<16xf32>
      %eq3A_60 = vector.broadcast %reduce_max3A_59 : f32 to vector<16xf32>
      %eq3A_61 = arith.cmpf oeq, %scan3A_55#0, %eq3A_60 : vector<16xf32>
      %select_n3A = arith.select %eq3A_61, %scan3A_55#1, %broadcast_in_dim3A_10 : vector<16xi1>, vector<16xi32>
      %reduce_min3A = arith.constant true
      %reduce_min3A_62 = vector.broadcast %reduce_min3A : i1 to vector<16xi1>
      %reduce_min3A_63 = arith.constant -2147483648 : i32
      %reduce_min3A_64 = vector.broadcast %reduce_min3A_63 : i32 to vector<16xi32>
      %reduce_min3A_65 = arith.xori %select_n3A, %reduce_min3A_64 : vector<16xi32>
      %reduce_min3A_66 = tpu.scan <min>, %reduce_min3A_65 masked %reduce_min3A_62 : vector<16xi32>, vector<16xi1> -> vector<16xi32>
      %reduce_min3A_67 = arith.xori %reduce_min3A_66, %reduce_min3A_64 : vector<16xi32>
      %reduce_min3A_68 = vector.extract %reduce_min3A_67[15] : i32 from vector<16xi32>
      %eq3A_69 = vector.broadcast %reduce_max3A_59 : f32 to vector<16xf32>
      %eq3A_70 = arith.cmpf oeq, %scan3A_55#0, %eq3A_69 : vector<16xf32>
      %eq3A_71 = vector.broadcast %reduce_min3A_68 : i32 to vector<16xi32>
      %eq3A_72 = arith.cmpi eq, %scan3A_55#1, %eq3A_71 : vector<16xi32>
      %and3A = arith.andi %eq3A_70, %eq3A_72 : vector<16xi1>
      %select_n3A_73 = arith.select %and3A, %scan3A_55#2, %scan3A_55#0 : vector<16xi1>, vector<16xf32>
      %select_n3A_74 = arith.select %and3A, %scan3A_55#3, %scan3A_55#1 : vector<16xi1>, vector<16xi32>
      %reduce_max3A_75 = arith.constant true
      %reduce_max3A_76 = vector.broadcast %reduce_max3A_75 : i1 to vector<16xi1>
      %reduce_max3A_77 = tpu.scan <max>, %select_n3A_73 masked %reduce_max3A_76 : vector<16xf32>, vector<16xi1> -> vector<16xf32>
      %reduce_max3A_78 = vector.extract %reduce_max3A_77[15] : f32 from vector<16xf32>
      %eq3A_79 = vector.broadcast %reduce_max3A_78 : f32 to vector<16xf32>
      %eq3A_80 = arith.cmpf oeq, %select_n3A_73, %eq3A_79 : vector<16xf32>
      %select_n3A_81 = arith.select %eq3A_80, %select_n3A_74, %broadcast_in_dim3A_10 : vector<16xi1>, vector<16xi32>
      %reduce_min3A_82 = arith.constant true
      %reduce_min3A_83 = vector.broadcast %reduce_min3A_82 : i1 to vector<16xi1>
      %reduce_min3A_84 = arith.constant -2147483648 : i32
      %reduce_min3A_85 = vector.broadcast %reduce_min3A_84 : i32 to vector<16xi32>
      %reduce_min3A_86 = arith.xori %select_n3A_81, %reduce_min3A_85 : vector<16xi32>
      %reduce_min3A_87 = tpu.scan <min>, %reduce_min3A_86 masked %reduce_min3A_83 : vector<16xi32>, vector<16xi1> -> vector<16xi32>
      %reduce_min3A_88 = arith.xori %reduce_min3A_87, %reduce_min3A_85 : vector<16xi32>
      %reduce_min3A_89 = vector.extract %reduce_min3A_88[15] : i32 from vector<16xi32>
      %jit3A = arith.constant 0 : i32
      %jit3A_90 = arith.constant 319 : i32
      %max3A = arith.maxsi %jit3A, %reduce_min3A_68 : i32
      %min3A_91 = arith.minsi %jit3A_90, %max3A : i32
      %jit3A_92 = arith.constant 0 : i32
      %jit3A_93 = arith.constant 319 : i32
      %max3A_94 = arith.maxsi %jit3A_92, %reduce_min3A_89 : i32
      %min3A_95 = arith.minsi %jit3A_93, %max3A_94 : i32
      %broadcast_in_dim3A_96 = vector.broadcast %min3A_91 : i32 to vector<16xi32>
      %broadcast_in_dim3A_97 = vector.broadcast %min3A_95 : i32 to vector<16xi32>
      %gather3A = tpu.vector_load_idx %arg9[%broadcast_in_dim3A_96] : memref<320xf32, #tpu.memory_space<vmem>>[vector<16xi32>], vector<16xf32>,
      %gather3A_98 = tpu.vector_load_idx %arg10[%broadcast_in_dim3A_96] : memref<320xf32, #tpu.memory_space<vmem>>[vector<16xi32>], vector<16xf32>,
      %gather3A_99 = tpu.vector_load_idx %arg11[%broadcast_in_dim3A_96] : memref<320xf32, #tpu.memory_space<vmem>>[vector<16xi32>], vector<16xf32>,
      %gather3A_100 = tpu.vector_load_idx %arg12[%broadcast_in_dim3A_96] : memref<320xf32, #tpu.memory_space<vmem>>[vector<16xi32>], vector<16xf32>,
      %gather3A_101 = tpu.vector_load_idx %arg13[%broadcast_in_dim3A_96] : memref<320xf32, #tpu.memory_space<vmem>>[vector<16xi32>], vector<16xf32>,
      %gather3A_102 = tpu.vector_load_idx %arg15[%broadcast_in_dim3A_96] : memref<320xi32, #tpu.memory_space<vmem>>[vector<16xi32>], vector<16xi32>,
      %gather3A_103 = tpu.vector_load_idx %arg9[%broadcast_in_dim3A_97] : memref<320xf32, #tpu.memory_space<vmem>>[vector<16xi32>], vector<16xf32>,
      %gather3A_104 = tpu.vector_load_idx %arg10[%broadcast_in_dim3A_97] : memref<320xf32, #tpu.memory_space<vmem>>[vector<16xi32>], vector<16xf32>,
      %gather3A_105 = tpu.vector_load_idx %arg11[%broadcast_in_dim3A_97] : memref<320xf32, #tpu.memory_space<vmem>>[vector<16xi32>], vector<16xf32>,
      %gather3A_106 = tpu.vector_load_idx %arg12[%broadcast_in_dim3A_97] : memref<320xf32, #tpu.memory_space<vmem>>[vector<16xi32>], vector<16xf32>,
      %gather3A_107 = tpu.vector_load_idx %arg13[%broadcast_in_dim3A_97] : memref<320xf32, #tpu.memory_space<vmem>>[vector<16xi32>], vector<16xf32>,
      %gather3A_108 = tpu.vector_load_idx %arg15[%broadcast_in_dim3A_97] : memref<320xi32, #tpu.memory_space<vmem>>[vector<16xi32>], vector<16xi32>,
      %broadcast_in_dim3A_109 = vector.broadcast %reduce_max3A_59 : f32 to vector<16xf32>
      %mul3A_110 = arith.constant 65536 : i32
      %mul3A_111 = arith.muli %arg1, %mul3A_110 : i32
      %add3A = arith.addi %mul3A_111, %min3A_91 : i32
      %broadcast_in_dim3A_112 = vector.broadcast %add3A : i32 to vector<16xi32>
      %mul3A_113 = arith.constant 65536 : i32
      %mul3A_114 = arith.muli %arg1, %mul3A_113 : i32
      %add3A_115 = arith.addi %mul3A_114, %min3A_95 : i32
      %broadcast_in_dim3A_116 = vector.broadcast %add3A_115 : i32 to vector<16xi32>
      %eq3A_117 = arith.constant 1 : i32
      %eq3A_118 = vector.broadcast %eq3A_117 : i32 to vector<16xi32>
      %eq3A_119 = arith.cmpi eq, %iota3A, %eq3A_118 : vector<16xi32>
      %bitcast3A = vector.bitcast %broadcast_in_dim3A_112 : vector<16xi32> to vector<16xf32>
      %select_n3A_120 = arith.select %eq3A_119, %bitcast3A, %broadcast_in_dim3A_109 : vector<16xi1>, vector<16xf32>
      %eq3A_121 = arith.constant 2 : i32
      %eq3A_122 = vector.broadcast %eq3A_121 : i32 to vector<16xi32>
      %eq3A_123 = arith.cmpi eq, %iota3A, %eq3A_122 : vector<16xi32>
      %select_n3A_124 = arith.select %eq3A_123, %gather3A, %select_n3A_120 : vector<16xi1>, vector<16xf32>
      %eq3A_125 = arith.constant 3 : i32
      %eq3A_126 = vector.broadcast %eq3A_125 : i32 to vector<16xi32>
      %eq3A_127 = arith.cmpi eq, %iota3A, %eq3A_126 : vector<16xi32>
      %select_n3A_128 = arith.select %eq3A_127, %gather3A_98, %select_n3A_124 : vector<16xi1>, vector<16xf32>
      %eq3A_129 = arith.constant 4 : i32
      %eq3A_130 = vector.broadcast %eq3A_129 : i32 to vector<16xi32>
      %eq3A_131 = arith.cmpi eq, %iota3A, %eq3A_130 : vector<16xi32>
      %select_n3A_132 = arith.select %eq3A_131, %gather3A_99, %select_n3A_128 : vector<16xi1>, vector<16xf32>
      %eq3A_133 = arith.constant 5 : i32
      %eq3A_134 = vector.broadcast %eq3A_133 : i32 to vector<16xi32>
      %eq3A_135 = arith.cmpi eq, %iota3A, %eq3A_134 : vector<16xi32>
      %select_n3A_136 = arith.select %eq3A_135, %gather3A_100, %select_n3A_132 : vector<16xi1>, vector<16xf32>
      %eq3A_137 = arith.constant 6 : i32
      %eq3A_138 = vector.broadcast %eq3A_137 : i32 to vector<16xi32>
      %eq3A_139 = arith.cmpi eq, %iota3A, %eq3A_138 : vector<16xi32>
      %bitcast3A_140 = vector.bitcast %gather3A_102 : vector<16xi32> to vector<16xf32>
      %select_n3A_141 = arith.select %eq3A_139, %bitcast3A_140, %select_n3A_136 : vector<16xi1>, vector<16xf32>
      %eq3A_142 = arith.constant 7 : i32
      %eq3A_143 = vector.broadcast %eq3A_142 : i32 to vector<16xi32>
      %eq3A_144 = arith.cmpi eq, %iota3A, %eq3A_143 : vector<16xi32>
      %select_n3A_145 = arith.select %eq3A_144, %gather3A_101, %select_n3A_141 : vector<16xi1>, vector<16xf32>
      %eq3A_146 = arith.constant 8 : i32
      %eq3A_147 = vector.broadcast %eq3A_146 : i32 to vector<16xi32>
      %eq3A_148 = arith.cmpi eq, %iota3A, %eq3A_147 : vector<16xi32>
      %broadcast_in_dim3A_149 = vector.broadcast %reduce_max3A_78 : f32 to vector<16xf32>
      %select_n3A_150 = arith.select %eq3A_148, %broadcast_in_dim3A_149, %select_n3A_145 : vector<16xi1>, vector<16xf32>
      %eq3A_151 = arith.constant 9 : i32
      %eq3A_152 = vector.broadcast %eq3A_151 : i32 to vector<16xi32>
      %eq3A_153 = arith.cmpi eq, %iota3A, %eq3A_152 : vector<16xi32>
      %bitcast3A_154 = vector.bitcast %broadcast_in_dim3A_116 : vector<16xi32> to vector<16xf32>
      %select_n3A_155 = arith.select %eq3A_153, %bitcast3A_154, %select_n3A_150 : vector<16xi1>, vector<16xf32>
      %eq3A_156 = arith.constant 10 : i32
      %eq3A_157 = vector.broadcast %eq3A_156 : i32 to vector<16xi32>
      %eq3A_158 = arith.cmpi eq, %iota3A, %eq3A_157 : vector<16xi32>
      %select_n3A_159 = arith.select %eq3A_158, %gather3A_103, %select_n3A_155 : vector<16xi1>, vector<16xf32>
      %eq3A_160 = arith.constant 11 : i32
      %eq3A_161 = vector.broadcast %eq3A_160 : i32 to vector<16xi32>
      %eq3A_162 = arith.cmpi eq, %iota3A, %eq3A_161 : vector<16xi32>
      %select_n3A_163 = arith.select %eq3A_162, %gather3A_104, %select_n3A_159 : vector<16xi1>, vector<16xf32>
      %eq3A_164 = arith.constant 12 : i32
      %eq3A_165 = vector.broadcast %eq3A_164 : i32 to vector<16xi32>
      %eq3A_166 = arith.cmpi eq, %iota3A, %eq3A_165 : vector<16xi32>
      %select_n3A_167 = arith.select %eq3A_166, %gather3A_105, %select_n3A_163 : vector<16xi1>, vector<16xf32>
      %eq3A_168 = arith.constant 13 : i32
      %eq3A_169 = vector.broadcast %eq3A_168 : i32 to vector<16xi32>
      %eq3A_170 = arith.cmpi eq, %iota3A, %eq3A_169 : vector<16xi32>
      %select_n3A_171 = arith.select %eq3A_170, %gather3A_106, %select_n3A_167 : vector<16xi1>, vector<16xf32>
      %eq3A_172 = arith.constant 14 : i32
      %eq3A_173 = vector.broadcast %eq3A_172 : i32 to vector<16xi32>
      %eq3A_174 = arith.cmpi eq, %iota3A, %eq3A_173 : vector<16xi32>
      %bitcast3A_175 = vector.bitcast %gather3A_108 : vector<16xi32> to vector<16xf32>
      %select_n3A_176 = arith.select %eq3A_174, %bitcast3A_175, %select_n3A_171 : vector<16xi1>, vector<16xf32>
      %eq3A_177 = arith.constant 15 : i32
      %eq3A_178 = vector.broadcast %eq3A_177 : i32 to vector<16xi32>
      %eq3A_179 = arith.cmpi eq, %iota3A, %eq3A_178 : vector<16xi32>
      %select_n3A_180 = arith.select %eq3A_179, %gather3A_107, %select_n3A_176 : vector<16xi1>, vector<16xf32>
      %swap3A = arith.constant 0 : index
      %swap3A_181 = tpu.vector_load %arg16[%swap3A] {strides = array<i32>} : memref<16xf32, #tpu.memory_space<vmem>>, vector<16xf32>,
      tpu.vector_store %arg16[%swap3A], %select_n3A_180 {strides = array<i32>} : memref<16xf32, #tpu.memory_space<vmem>>, vector<16xf32>,
      %rem3A = arith.constant 2 : i32
      %rem3A_182 = arith.remsi %while3A_45, %rem3A : i32
      %mul3A_183 = arith.constant 256 : i32
      %mul3A_184 = arith.muli %rem3A_182, %mul3A_183 : i32
      %mul3A_185 = arith.constant 16 : i32
      %mul3A_186 = arith.muli %arg1, %mul3A_185 : i32
      %add3A_187 = arith.addi %mul3A_184, %mul3A_186 : i32
      "tpu.region"() ({
        %run_scoped3A = tpu.sem_alloc : memref<!tpu.dma_semaphore, #tpu.memory_space<semaphore_mem>>
        %dma_start3A_303 = tpu.memref_slice %arg22[%add3A_187] : memref<512xf32, #tpu.memory_space<vmem_shared>> -> memref<16xf32, #tpu.memory_space<vmem_shared>>
        %dma_start3A_304 = tpu.memref_slice %arg22[%add3A_187] : memref<512xf32, #tpu.memory_space<vmem_shared>> -> memref<16xf32, #tpu.memory_space<vmem_shared>>
        tpu.enqueue_dma source(%arg16 : memref<16xf32, #tpu.memory_space<vmem>>) target(%dma_start3A_304 : memref<16xf32, #tpu.memory_space<vmem_shared>>) target_semaphore(%run_scoped3A : memref<!tpu.dma_semaphore, #tpu.memory_space<semaphore_mem>>)
        %dma_wait3A_305 = tpu.memref_slice %arg22[%add3A_187] : memref<512xf32, #tpu.memory_space<vmem_shared>> -> memref<16xf32, #tpu.memory_space<vmem_shared>>
        %dma_wait3A_306 = tpu.memref_slice %arg22[%add3A_187] : memref<512xf32, #tpu.memory_space<vmem_shared>> -> memref<16xf32, #tpu.memory_space<vmem_shared>>
        tpu.wait_dma2 semaphore(%run_scoped3A : memref<!tpu.dma_semaphore, #tpu.memory_space<semaphore_mem>>) src(%arg16 : memref<16xf32, #tpu.memory_space<vmem>>) dst(%dma_wait3A_306 : memref<16xf32, #tpu.memory_space<vmem_shared>>)
        tpu.yield
      }) : () -> ()
      %barrier3A = arith.constant 0 : index
      tpu.barrier barrier_id(%barrier3A)
      %mul3A_188 = arith.constant 256 : i32
      %mul3A_189 = arith.muli %rem3A_182, %mul3A_188 : i32
      "tpu.region"() ({
        %run_scoped3A = tpu.sem_alloc : memref<!tpu.dma_semaphore, #tpu.memory_space<semaphore_mem>>
        %dma_start3A_303 = tpu.memref_slice %arg22[%mul3A_189] : memref<512xf32, #tpu.memory_space<vmem_shared>> -> memref<256xf32, #tpu.memory_space<vmem_shared>>
        %dma_start3A_304 = tpu.memref_slice %arg22[%mul3A_189] : memref<512xf32, #tpu.memory_space<vmem_shared>> -> memref<256xf32, #tpu.memory_space<vmem_shared>>
        tpu.enqueue_dma source(%dma_start3A_304 : memref<256xf32, #tpu.memory_space<vmem_shared>>) target(%arg17 : memref<256xf32, #tpu.memory_space<vmem>>) target_semaphore(%run_scoped3A : memref<!tpu.dma_semaphore, #tpu.memory_space<semaphore_mem>>)
        %dma_wait3A_305 = tpu.memref_slice %arg22[%mul3A_189] : memref<512xf32, #tpu.memory_space<vmem_shared>> -> memref<256xf32, #tpu.memory_space<vmem_shared>>
        %dma_wait3A_306 = tpu.memref_slice %arg22[%mul3A_189] : memref<512xf32, #tpu.memory_space<vmem_shared>> -> memref<256xf32, #tpu.memory_space<vmem_shared>>
        tpu.wait_dma2 semaphore(%run_scoped3A : memref<!tpu.dma_semaphore, #tpu.memory_space<semaphore_mem>>) src(%dma_wait3A_306 : memref<256xf32, #tpu.memory_space<vmem_shared>>) dst(%arg17 : memref<256xf32, #tpu.memory_space<vmem>>)
        tpu.yield
      }) : () -> ()
      %mul3A_190 = arith.constant 16 : i32
      %mul3A_191 = vector.broadcast %mul3A_190 : i32 to vector<16xi32>
      %mul3A_192 = arith.muli %iota3A, %mul3A_191 : vector<16xi32>
      %add3A_193 = arith.constant 0 : i32
      %add3A_194 = vector.broadcast %add3A_193 : i32 to vector<16xi32>
      %add3A_195 = arith.addi %mul3A_192, %add3A_194 : vector<16xi32>
      %gather3A_196 = tpu.vector_load_idx %arg17[%add3A_195] : memref<256xf32, #tpu.memory_space<vmem>>[vector<16xi32>], vector<16xf32>,
      %mul3A_197 = arith.constant 16 : i32
      %mul3A_198 = vector.broadcast %mul3A_197 : i32 to vector<16xi32>
      %mul3A_199 = arith.muli %iota3A, %mul3A_198 : vector<16xi32>
      %add3A_200 = arith.constant 1 : i32
      %add3A_201 = vector.broadcast %add3A_200 : i32 to vector<16xi32>
      %add3A_202 = arith.addi %mul3A_199, %add3A_201 : vector<16xi32>
      %gather3A_203 = tpu.vector_load_idx %arg17[%add3A_202] : memref<256xf32, #tpu.memory_space<vmem>>[vector<16xi32>], vector<16xf32>,
      %bitcast3A_204 = vector.bitcast %gather3A_203 : vector<16xf32> to vector<16xi32>
      %mul3A_205 = arith.constant 16 : i32
      %mul3A_206 = vector.broadcast %mul3A_205 : i32 to vector<16xi32>
      %mul3A_207 = arith.muli %iota3A, %mul3A_206 : vector<16xi32>
      %add3A_208 = arith.constant 2 : i32
      %add3A_209 = vector.broadcast %add3A_208 : i32 to vector<16xi32>
      %add3A_210 = arith.addi %mul3A_207, %add3A_209 : vector<16xi32>
      %gather3A_211 = tpu.vector_load_idx %arg17[%add3A_210] : memref<256xf32, #tpu.memory_space<vmem>>[vector<16xi32>], vector<16xf32>,
      %mul3A_212 = arith.constant 16 : i32
      %mul3A_213 = vector.broadcast %mul3A_212 : i32 to vector<16xi32>
      %mul3A_214 = arith.muli %iota3A, %mul3A_213 : vector<16xi32>
      %add3A_215 = arith.constant 3 : i32
      %add3A_216 = vector.broadcast %add3A_215 : i32 to vector<16xi32>
      %add3A_217 = arith.addi %mul3A_214, %add3A_216 : vector<16xi32>
      %gather3A_218 = tpu.vector_load_idx %arg17[%add3A_217] : memref<256xf32, #tpu.memory_space<vmem>>[vector<16xi32>], vector<16xf32>,
      %mul3A_219 = arith.constant 16 : i32
      %mul3A_220 = vector.broadcast %mul3A_219 : i32 to vector<16xi32>
      %mul3A_221 = arith.muli %iota3A, %mul3A_220 : vector<16xi32>
      %add3A_222 = arith.constant 4 : i32
      %add3A_223 = vector.broadcast %add3A_222 : i32 to vector<16xi32>
      %add3A_224 = arith.addi %mul3A_221, %add3A_223 : vector<16xi32>
      %gather3A_225 = tpu.vector_load_idx %arg17[%add3A_224] : memref<256xf32, #tpu.memory_space<vmem>>[vector<16xi32>], vector<16xf32>,
      %mul3A_226 = arith.constant 16 : i32
      %mul3A_227 = vector.broadcast %mul3A_226 : i32 to vector<16xi32>
      %mul3A_228 = arith.muli %iota3A, %mul3A_227 : vector<16xi32>
      %add3A_229 = arith.constant 5 : i32
      %add3A_230 = vector.broadcast %add3A_229 : i32 to vector<16xi32>
      %add3A_231 = arith.addi %mul3A_228, %add3A_230 : vector<16xi32>
      %gather3A_232 = tpu.vector_load_idx %arg17[%add3A_231] : memref<256xf32, #tpu.memory_space<vmem>>[vector<16xi32>], vector<16xf32>,
      %mul3A_233 = arith.constant 16 : i32
      %mul3A_234 = vector.broadcast %mul3A_233 : i32 to vector<16xi32>
      %mul3A_235 = arith.muli %iota3A, %mul3A_234 : vector<16xi32>
      %add3A_236 = arith.constant 7 : i32
      %add3A_237 = vector.broadcast %add3A_236 : i32 to vector<16xi32>
      %add3A_238 = arith.addi %mul3A_235, %add3A_237 : vector<16xi32>
      %gather3A_239 = tpu.vector_load_idx %arg17[%add3A_238] : memref<256xf32, #tpu.memory_space<vmem>>[vector<16xi32>], vector<16xf32>,
      %mul3A_240 = arith.constant 16 : i32
      %mul3A_241 = vector.broadcast %mul3A_240 : i32 to vector<16xi32>
      %mul3A_242 = arith.muli %iota3A, %mul3A_241 : vector<16xi32>
      %add3A_243 = arith.constant 8 : i32
      %add3A_244 = vector.broadcast %add3A_243 : i32 to vector<16xi32>
      %add3A_245 = arith.addi %mul3A_242, %add3A_244 : vector<16xi32>
      %gather3A_246 = tpu.vector_load_idx %arg17[%add3A_245] : memref<256xf32, #tpu.memory_space<vmem>>[vector<16xi32>], vector<16xf32>,
      %mul3A_247 = arith.constant 16 : i32
      %mul3A_248 = vector.broadcast %mul3A_247 : i32 to vector<16xi32>
      %mul3A_249 = arith.muli %iota3A, %mul3A_248 : vector<16xi32>
      %add3A_250 = arith.constant 9 : i32
      %add3A_251 = vector.broadcast %add3A_250 : i32 to vector<16xi32>
      %add3A_252 = arith.addi %mul3A_249, %add3A_251 : vector<16xi32>
      %gather3A_253 = tpu.vector_load_idx %arg17[%add3A_252] : memref<256xf32, #tpu.memory_space<vmem>>[vector<16xi32>], vector<16xf32>,
      %bitcast3A_254 = vector.bitcast %gather3A_253 : vector<16xf32> to vector<16xi32>
      %mul3A_255 = arith.constant 16 : i32
      %mul3A_256 = vector.broadcast %mul3A_255 : i32 to vector<16xi32>
      %mul3A_257 = arith.muli %iota3A, %mul3A_256 : vector<16xi32>
      %add3A_258 = arith.constant 10 : i32
      %add3A_259 = vector.broadcast %add3A_258 : i32 to vector<16xi32>
      %add3A_260 = arith.addi %mul3A_257, %add3A_259 : vector<16xi32>
      %gather3A_261 = tpu.vector_load_idx %arg17[%add3A_260] : memref<256xf32, #tpu.memory_space<vmem>>[vector<16xi32>], vector<16xf32>,
      %mul3A_262 = arith.constant 16 : i32
      %mul3A_263 = vector.broadcast %mul3A_262 : i32 to vector<16xi32>
      %mul3A_264 = arith.muli %iota3A, %mul3A_263 : vector<16xi32>
      %add3A_265 = arith.constant 11 : i32
      %add3A_266 = vector.broadcast %add3A_265 : i32 to vector<16xi32>
      %add3A_267 = arith.addi %mul3A_264, %add3A_266 : vector<16xi32>
      %gather3A_268 = tpu.vector_load_idx %arg17[%add3A_267] : memref<256xf32, #tpu.memory_space<vmem>>[vector<16xi32>], vector<16xf32>,
      %mul3A_269 = arith.constant 16 : i32
      %mul3A_270 = vector.broadcast %mul3A_269 : i32 to vector<16xi32>
      %mul3A_271 = arith.muli %iota3A, %mul3A_270 : vector<16xi32>
      %add3A_272 = arith.constant 12 : i32
      %add3A_273 = vector.broadcast %add3A_272 : i32 to vector<16xi32>
      %add3A_274 = arith.addi %mul3A_271, %add3A_273 : vector<16xi32>
      %gather3A_275 = tpu.vector_load_idx %arg17[%add3A_274] : memref<256xf32, #tpu.memory_space<vmem>>[vector<16xi32>], vector<16xf32>,
      %mul3A_276 = arith.constant 16 : i32
      %mul3A_277 = vector.broadcast %mul3A_276 : i32 to vector<16xi32>
      %mul3A_278 = arith.muli %iota3A, %mul3A_277 : vector<16xi32>
      %add3A_279 = arith.constant 13 : i32
      %add3A_280 = vector.broadcast %add3A_279 : i32 to vector<16xi32>
      %add3A_281 = arith.addi %mul3A_278, %add3A_280 : vector<16xi32>
      %gather3A_282 = tpu.vector_load_idx %arg17[%add3A_281] : memref<256xf32, #tpu.memory_space<vmem>>[vector<16xi32>], vector<16xf32>,
      %mul3A_283 = arith.constant 16 : i32
      %mul3A_284 = vector.broadcast %mul3A_283 : i32 to vector<16xi32>
      %mul3A_285 = arith.muli %iota3A, %mul3A_284 : vector<16xi32>
      %add3A_286 = arith.constant 15 : i32
      %add3A_287 = vector.broadcast %add3A_286 : i32 to vector<16xi32>
      %add3A_288 = arith.addi %mul3A_285, %add3A_287 : vector<16xi32>
      %gather3A_289 = tpu.vector_load_idx %arg17[%add3A_288] : memref<256xf32, #tpu.memory_space<vmem>>[vector<16xi32>], vector<16xf32>,
      %gt3A = arith.constant -1.000000e+29 : f32
      %gt3A_290 = vector.broadcast %gt3A : f32 to vector<16xf32>
      %gt3A_291 = arith.cmpf ogt, %gather3A_196, %gt3A_290 : vector<16xf32>
      %not3A = arith.constant dense<true> : vector<16xi1>
      %not3A_292 = arith.xori %gt3A_291, %not3A : vector<16xi1>
      %gt3A_293 = arith.constant -1.000000e+29 : f32
      %gt3A_294 = vector.broadcast %gt3A_293 : f32 to vector<16xf32>
      %gt3A_295 = arith.cmpf ogt, %gather3A_246, %gt3A_294 : vector<16xf32>
      %not3A_296 = arith.constant dense<true> : vector<16xi1>
      %not3A_297 = arith.xori %gt3A_295, %not3A_296 : vector<16xi1>
      %while3A_298 = arith.constant true
      %while3A_299:4 = scf.while (%while3A_303 = %while3A_298, %while3A_304 = %while3A_45, %while3A_305 = %not3A_292, %while3A_306 = %not3A_297) : (i1, i32, vector<16xi1>, vector<16xi1>) -> (i1, i32, vector<16xi1>, vector<16xi1>) {
        scf.condition(%while3A_303) %while3A_303, %while3A_304, %while3A_305, %while3A_306 : i1, i32, vector<16xi1>, vector<16xi1>
      } do {
      ^bb0(%while3A_303: i1, %while3A_304: i32, %while3A_305: vector<16xi1>, %while3A_306: vector<16xi1>):
        %select_n3A_307 = arith.select %while3A_305, %broadcast_in_dim3A_8, %gather3A_196 : vector<16xi1>, vector<16xf32>
        %select_n3A_308 = arith.select %while3A_306, %broadcast_in_dim3A_8, %gather3A_246 : vector<16xi1>, vector<16xf32>
        %max3A_309 = arith.maximumf %select_n3A_307, %select_n3A_308 : vector<16xf32>
        %reduce_max3A_310 = arith.constant true
        %reduce_max3A_311 = vector.broadcast %reduce_max3A_310 : i1 to vector<16xi1>
        %reduce_max3A_312 = tpu.scan <max>, %max3A_309 masked %reduce_max3A_311 : vector<16xf32>, vector<16xi1> -> vector<16xf32>
        %reduce_max3A_313 = vector.extract %reduce_max3A_312[15] : f32 from vector<16xf32>
        %broadcast_in_dim3A_314 = vector.broadcast %reduce_max3A_313 : f32 to vector<16xf32>
        %not3A_315 = arith.constant dense<true> : vector<16xi1>
        %not3A_316 = arith.xori %while3A_305, %not3A_315 : vector<16xi1>
        %eq3A_317 = arith.cmpf oeq, %gather3A_196, %broadcast_in_dim3A_314 : vector<16xf32>
        %and3A_318 = arith.andi %not3A_316, %eq3A_317 : vector<16xi1>
        %select_n3A_319 = arith.select %and3A_318, %bitcast3A_204, %broadcast_in_dim3A_10 : vector<16xi1>, vector<16xi32>
        %not3A_320 = arith.constant dense<true> : vector<16xi1>
        %not3A_321 = arith.xori %while3A_306, %not3A_320 : vector<16xi1>
        %eq3A_322 = arith.cmpf oeq, %gather3A_246, %broadcast_in_dim3A_314 : vector<16xf32>
        %and3A_323 = arith.andi %not3A_321, %eq3A_322 : vector<16xi1>
        %select_n3A_324 = arith.select %and3A_323, %bitcast3A_254, %broadcast_in_dim3A_10 : vector<16xi1>, vector<16xi32>
        %min3A_325 = arith.minsi %select_n3A_319, %select_n3A_324 : vector<16xi32>
        %reduce_min3A_326 = arith.constant true
        %reduce_min3A_327 = vector.broadcast %reduce_min3A_326 : i1 to vector<16xi1>
        %reduce_min3A_328 = arith.constant -2147483648 : i32
        %reduce_min3A_329 = vector.broadcast %reduce_min3A_328 : i32 to vector<16xi32>
        %reduce_min3A_330 = arith.xori %min3A_325, %reduce_min3A_329 : vector<16xi32>
        %reduce_min3A_331 = tpu.scan <min>, %reduce_min3A_330 masked %reduce_min3A_327 : vector<16xi32>, vector<16xi1> -> vector<16xi32>
        %reduce_min3A_332 = arith.xori %reduce_min3A_331, %reduce_min3A_329 : vector<16xi32>
        %reduce_min3A_333 = vector.extract %reduce_min3A_332[15] : i32 from vector<16xi32>
        %broadcast_in_dim3A_334 = vector.broadcast %reduce_min3A_333 : i32 to vector<16xi32>
        %gt3A_335 = arith.constant -1.000000e+29 : f32
        %gt3A_336 = arith.cmpf ogt, %reduce_max3A_313, %gt3A_335 : f32
        %and3A_337 = arith.andi %while3A_305, %while3A_306 : vector<16xi1>
        %gt3A_338 = arith.cmpf ogt, %gather3A_246, %broadcast_in_dim3A_314 : vector<16xf32>
        %eq3A_339 = arith.cmpf oeq, %gather3A_246, %broadcast_in_dim3A_314 : vector<16xf32>
        %lt3A_340 = arith.cmpi slt, %bitcast3A_254, %broadcast_in_dim3A_334 : vector<16xi32>
        %and3A_341 = arith.andi %eq3A_339, %lt3A_340 : vector<16xi1>
        %or3A = arith.ori %gt3A_338, %and3A_341 : vector<16xi1>
        %and3A_342 = arith.andi %and3A_337, %or3A : vector<16xi1>
        %convert_element_type3A_343 = arith.extui %and3A_342 : vector<16xi1> to vector<16xi32>
        %reduce_max3A_344 = arith.constant true
        %reduce_max3A_345 = vector.broadcast %reduce_max3A_344 : i1 to vector<16xi1>
        %reduce_max3A_346 = arith.constant -2147483648 : i32
        %reduce_max3A_347 = vector.broadcast %reduce_max3A_346 : i32 to vector<16xi32>
        %reduce_max3A_348 = arith.xori %convert_element_type3A_343, %reduce_max3A_347 : vector<16xi32>
        %reduce_max3A_349 = tpu.scan <max>, %reduce_max3A_348 masked %reduce_max3A_345 : vector<16xi32>, vector<16xi1> -> vector<16xi32>
        %reduce_max3A_350 = arith.xori %reduce_max3A_349, %reduce_max3A_347 : vector<16xi32>
        %reduce_max3A_351 = vector.extract %reduce_max3A_350[15] : i32 from vector<16xi32>
        %gt3A_352 = arith.constant 0 : i32
        %gt3A_353 = arith.cmpi sgt, %reduce_max3A_351, %gt3A_352 : i32
        %not3A_354 = arith.constant true
        %not3A_355 = arith.xori %gt3A_353, %not3A_354 : i1
        %and3A_356 = arith.andi %gt3A_336, %not3A_355 : i1
        %lt3A_357 = arith.constant 100 : i32
        %lt3A_358 = arith.cmpi slt, %while3A_304, %lt3A_357 : i32
        %and3A_359 = arith.andi %and3A_356, %lt3A_358 : i1
        %not3A_360 = arith.constant dense<true> : vector<16xi1>
        %not3A_361 = arith.xori %while3A_305, %not3A_360 : vector<16xi1>
        %eq3A_362 = arith.cmpf oeq, %gather3A_196, %broadcast_in_dim3A_314 : vector<16xf32>
        %and3A_363 = arith.andi %not3A_361, %eq3A_362 : vector<16xi1>
        %eq3A_364 = arith.cmpi eq, %bitcast3A_204, %broadcast_in_dim3A_334 : vector<16xi32>
        %and3A_365 = arith.andi %and3A_363, %eq3A_364 : vector<16xi1>
        %not3A_366 = arith.constant dense<true> : vector<16xi1>
        %not3A_367 = arith.xori %while3A_306, %not3A_366 : vector<16xi1>
        %eq3A_368 = arith.cmpf oeq, %gather3A_246, %broadcast_in_dim3A_314 : vector<16xf32>
        %and3A_369 = arith.andi %not3A_367, %eq3A_368 : vector<16xi1>
        %eq3A_370 = arith.cmpi eq, %bitcast3A_254, %broadcast_in_dim3A_334 : vector<16xi32>
        %and3A_371 = arith.andi %and3A_369, %eq3A_370 : vector<16xi1>
        %convert_element_type3A_372 = arith.extui %and3A_371 : vector<16xi1> to vector<16xi32>
        %reduce_max3A_373 = arith.constant true
        %reduce_max3A_374 = vector.broadcast %reduce_max3A_373 : i1 to vector<16xi1>
        %reduce_max3A_375 = arith.constant -2147483648 : i32
        %reduce_max3A_376 = vector.broadcast %reduce_max3A_375 : i32 to vector<16xi32>
        %reduce_max3A_377 = arith.xori %convert_element_type3A_372, %reduce_max3A_376 : vector<16xi32>
        %reduce_max3A_378 = tpu.scan <max>, %reduce_max3A_377 masked %reduce_max3A_374 : vector<16xi32>, vector<16xi1> -> vector<16xi32>
        %reduce_max3A_379 = arith.xori %reduce_max3A_378, %reduce_max3A_376 : vector<16xi32>
        %reduce_max3A_380 = vector.extract %reduce_max3A_379[15] : i32 from vector<16xi32>
        %gt3A_381 = arith.constant 0 : i32
        %gt3A_382 = arith.cmpi sgt, %reduce_max3A_380, %gt3A_381 : i32
        %shift_right_arithmetic3A = arith.constant 16 : i32
        %shift_right_arithmetic3A_383 = arith.shrsi %reduce_min3A_333, %shift_right_arithmetic3A : i32
        %jit3A_384 = arith.constant 0 : i32
        %jit3A_385 = arith.constant 15 : i32
        %max3A_386 = arith.maxsi %jit3A_384, %shift_right_arithmetic3A_383 : i32
        %min3A_387 = arith.minsi %jit3A_385, %max3A_386 : i32
        %mul3A_388 = arith.constant 320 : i32
        %mul3A_389 = arith.muli %min3A_387, %mul3A_388 : i32
        %min3A_390 = arith.constant 4680 : i32
        %min3A_391 = arith.minsi %mul3A_389, %min3A_390 : i32
        %mul3A_392 = arith.constant 16 : i32
        %mul3A_393 = arith.muli %min3A_387, %mul3A_392 : i32
        %jit3A_394 = arith.constant 8 : i32
        %jit3A_395 = arith.constant 0 : i32
        %select_n3A_396 = arith.select %gt3A_382, %jit3A_394, %jit3A_395 : i32
        %add3A_397 = arith.addi %mul3A_393, %select_n3A_396 : i32
        %broadcast_in_dim3A_398 = vector.broadcast %add3A_397 : i32 to vector<16xi32>
        %add3A_399 = arith.constant 2 : i32
        %add3A_400 = vector.broadcast %add3A_399 : i32 to vector<16xi32>
        %add3A_401 = arith.addi %broadcast_in_dim3A_398, %add3A_400 : vector<16xi32>
        %gather3A_402 = tpu.vector_load_idx %arg17[%add3A_401] : memref<256xf32, #tpu.memory_space<vmem>>[vector<16xi32>], vector<16xf32>,
        %add3A_403 = arith.constant 3 : i32
        %add3A_404 = vector.broadcast %add3A_403 : i32 to vector<16xi32>
        %add3A_405 = arith.addi %broadcast_in_dim3A_398, %add3A_404 : vector<16xi32>
        %gather3A_406 = tpu.vector_load_idx %arg17[%add3A_405] : memref<256xf32, #tpu.memory_space<vmem>>[vector<16xi32>], vector<16xf32>,
        %add3A_407 = arith.constant 4 : i32
        %add3A_408 = vector.broadcast %add3A_407 : i32 to vector<16xi32>
        %add3A_409 = arith.addi %broadcast_in_dim3A_398, %add3A_408 : vector<16xi32>
        %gather3A_410 = tpu.vector_load_idx %arg17[%add3A_409] : memref<256xf32, #tpu.memory_space<vmem>>[vector<16xi32>], vector<16xf32>,
        %add3A_411 = arith.constant 5 : i32
        %add3A_412 = vector.broadcast %add3A_411 : i32 to vector<16xi32>
        %add3A_413 = arith.addi %broadcast_in_dim3A_398, %add3A_412 : vector<16xi32>
        %gather3A_414 = tpu.vector_load_idx %arg17[%add3A_413] : memref<256xf32, #tpu.memory_space<vmem>>[vector<16xi32>], vector<16xf32>,
        %add3A_415 = arith.constant 6 : i32
        %add3A_416 = vector.broadcast %add3A_415 : i32 to vector<16xi32>
        %add3A_417 = arith.addi %broadcast_in_dim3A_398, %add3A_416 : vector<16xi32>
        %gather3A_418 = tpu.vector_load_idx %arg17[%add3A_417] : memref<256xf32, #tpu.memory_space<vmem>>[vector<16xi32>], vector<16xf32>,
        %bitcast3A_419 = vector.bitcast %gather3A_418 : vector<16xf32> to vector<16xi32>
        %add3A_420 = arith.constant 7 : i32
        %add3A_421 = vector.broadcast %add3A_420 : i32 to vector<16xi32>
        %add3A_422 = arith.addi %broadcast_in_dim3A_398, %add3A_421 : vector<16xi32>
        %gather3A_423 = tpu.vector_load_idx %arg17[%add3A_422] : memref<256xf32, #tpu.memory_space<vmem>>[vector<16xi32>], vector<16xf32>,
        %and3A_424 = arith.constant 65535 : i32
        %and3A_425 = arith.andi %reduce_min3A_333, %and3A_424 : i32
        %add3A_426 = arith.addi %and3A_425, %min3A_391 : i32
        %broadcast_in_dim3A_427 = vector.broadcast %add3A_426 : i32 to vector<16xi32>
        %broadcast_in_dim3A_428 = vector.broadcast %and3A_359 : i1 to vector<16xi1>
        %max3A_429 = arith.maximumf %gather3A_211, %gather3A_402 : vector<16xf32>
        %max3A_430 = arith.maximumf %gather3A_218, %gather3A_406 : vector<16xf32>
        %min3A_431 = arith.minimumf %gather3A_225, %gather3A_410 : vector<16xf32>
        %min3A_432 = arith.minimumf %gather3A_232, %gather3A_414 : vector<16xf32>
        %sub3A = arith.subf %min3A_431, %max3A_429 : vector<16xf32>
        %max3A_433 = arith.constant 0.000000e+00 : f32
        %max3A_434 = vector.broadcast %max3A_433 : f32 to vector<16xf32>
        %max3A_435 = arith.maximumf %sub3A, %max3A_434 : vector<16xf32>
        %sub3A_436 = arith.subf %min3A_432, %max3A_430 : vector<16xf32>
        %max3A_437 = arith.constant 0.000000e+00 : f32
        %max3A_438 = vector.broadcast %max3A_437 : f32 to vector<16xf32>
        %max3A_439 = arith.maximumf %sub3A_436, %max3A_438 : vector<16xf32>
        %mul3A_440 = arith.mulf %max3A_435, %max3A_439 : vector<16xf32>
        %add3A_441 = arith.addf %gather3A_423, %gather3A_239 : vector<16xf32>
        %sub3A_442 = arith.subf %add3A_441, %mul3A_440 : vector<16xf32>
        %add3A_443 = arith.constant 9.99999993E-9 : f32
        %add3A_444 = vector.broadcast %add3A_443 : f32 to vector<16xf32>
        %add3A_445 = arith.addf %sub3A_442, %add3A_444 : vector<16xf32>
        %div3A = arith.divf %mul3A_440, %add3A_445 : vector<16xf32>
        %ge3A = arith.constant 2.000000e-01 : f32
        %ge3A_446 = vector.broadcast %ge3A : f32 to vector<16xf32>
        %ge3A_447 = arith.cmpf oge, %div3A, %ge3A_446 : vector<16xf32>
        %or3A_448 = arith.ori %and3A_365, %ge3A_447 : vector<16xi1>
        %and3A_449 = arith.andi %broadcast_in_dim3A_428, %or3A_448 : vector<16xi1>
        %max3A_450 = arith.maximumf %gather3A_261, %gather3A_402 : vector<16xf32>
        %max3A_451 = arith.maximumf %gather3A_268, %gather3A_406 : vector<16xf32>
        %min3A_452 = arith.minimumf %gather3A_275, %gather3A_410 : vector<16xf32>
        %min3A_453 = arith.minimumf %gather3A_282, %gather3A_414 : vector<16xf32>
        %sub3A_454 = arith.subf %min3A_452, %max3A_450 : vector<16xf32>
        %max3A_455 = arith.constant 0.000000e+00 : f32
        %max3A_456 = vector.broadcast %max3A_455 : f32 to vector<16xf32>
        %max3A_457 = arith.maximumf %sub3A_454, %max3A_456 : vector<16xf32>
        %sub3A_458 = arith.subf %min3A_453, %max3A_451 : vector<16xf32>
        %max3A_459 = arith.constant 0.000000e+00 : f32
        %max3A_460 = vector.broadcast %max3A_459 : f32 to vector<16xf32>
        %max3A_461 = arith.maximumf %sub3A_458, %max3A_460 : vector<16xf32>
        %mul3A_462 = arith.mulf %max3A_457, %max3A_461 : vector<16xf32>
        %add3A_463 = arith.addf %gather3A_423, %gather3A_289 : vector<16xf32>
        %sub3A_464 = arith.subf %add3A_463, %mul3A_462 : vector<16xf32>
        %add3A_465 = arith.constant 9.99999993E-9 : f32
        %add3A_466 = vector.broadcast %add3A_465 : f32 to vector<16xf32>
        %add3A_467 = arith.addf %sub3A_464, %add3A_466 : vector<16xf32>
        %div3A_468 = arith.divf %mul3A_462, %add3A_467 : vector<16xf32>
        %ge3A_469 = arith.constant 2.000000e-01 : f32
        %ge3A_470 = vector.broadcast %ge3A_469 : f32 to vector<16xf32>
        %ge3A_471 = arith.cmpf oge, %div3A_468, %ge3A_470 : vector<16xf32>
        %or3A_472 = arith.ori %and3A_371, %ge3A_471 : vector<16xi1>
        %and3A_473 = arith.andi %broadcast_in_dim3A_428, %or3A_472 : vector<16xi1>
        %or3A_474 = arith.ori %while3A_305, %and3A_449 : vector<16xi1>
        %or3A_475 = arith.ori %while3A_306, %and3A_473 : vector<16xi1>
        %convert_element_type3A_476 = arith.extui %and3A_359 : i1 to i32
        %cond3A_477 = arith.constant 0 : i32
        %cond3A_478 = arith.cmpi ne, %convert_element_type3A_476, %cond3A_477 : i32
        scf.if %cond3A_478 {
          %scan3A_487 = arith.constant 0 : i32
          %scan3A_488 = arith.constant 0 : i32
          %scan3A_489 = arith.constant 5 : i32
          %scan3A_490 = arith.addi %scan3A_488, %scan3A_489 : i32
          %scan3A_491 = arith.constant 1 : i32
          %scan3A_492 = scf.for %scan3A_494 = %scan3A_488 to %scan3A_490 step %scan3A_491 iter_args(%scan3A_495 = %scan3A_487) -> (i32)  : i32 {
            %mul3A_496 = arith.constant 4 : i32
            %mul3A_497 = arith.muli %scan3A_494, %mul3A_496 : i32
            %add3A_498 = arith.constant 0 : i32
            %add3A_499 = arith.addi %mul3A_497, %add3A_498 : i32
            %mul3A_500 = arith.constant 16 : i32
            %mul3A_501 = arith.muli %add3A_499, %mul3A_500 : i32
            %get3A = arith.index_cast %mul3A_501 : i32 to index
            %get3A_502 = tpu.vector_load %arg9[%get3A] {strides = array<i32>} : memref<320xf32, #tpu.memory_space<vmem>>, vector<16xf32>,
            %max3A_503 = arith.maximumf %get3A_502, %gather3A_402 : vector<16xf32>
            %get3A_504 = arith.index_cast %mul3A_501 : i32 to index
            %get3A_505 = tpu.vector_load %arg10[%get3A_504] {strides = array<i32>} : memref<320xf32, #tpu.memory_space<vmem>>, vector<16xf32>,
            %max3A_506 = arith.maximumf %get3A_505, %gather3A_406 : vector<16xf32>
            %get3A_507 = arith.index_cast %mul3A_501 : i32 to index
            %get3A_508 = tpu.vector_load %arg11[%get3A_507] {strides = array<i32>} : memref<320xf32, #tpu.memory_space<vmem>>, vector<16xf32>,
            %min3A_509 = arith.minimumf %get3A_508, %gather3A_410 : vector<16xf32>
            %get3A_510 = arith.index_cast %mul3A_501 : i32 to index
            %get3A_511 = tpu.vector_load %arg12[%get3A_510] {strides = array<i32>} : memref<320xf32, #tpu.memory_space<vmem>>, vector<16xf32>,
            %min3A_512 = arith.minimumf %get3A_511, %gather3A_414 : vector<16xf32>
            %sub3A_513 = arith.subf %min3A_509, %max3A_503 : vector<16xf32>
            %max3A_514 = arith.constant 0.000000e+00 : f32
            %max3A_515 = vector.broadcast %max3A_514 : f32 to vector<16xf32>
            %max3A_516 = arith.maximumf %sub3A_513, %max3A_515 : vector<16xf32>
            %sub3A_517 = arith.subf %min3A_512, %max3A_506 : vector<16xf32>
            %max3A_518 = arith.constant 0.000000e+00 : f32
            %max3A_519 = vector.broadcast %max3A_518 : f32 to vector<16xf32>
            %max3A_520 = arith.maximumf %sub3A_517, %max3A_519 : vector<16xf32>
            %mul3A_521 = arith.mulf %max3A_516, %max3A_520 : vector<16xf32>
            %get3A_522 = arith.index_cast %mul3A_501 : i32 to index
            %get3A_523 = tpu.vector_load %arg13[%get3A_522] {strides = array<i32>} : memref<320xf32, #tpu.memory_space<vmem>>, vector<16xf32>,
            %add3A_524 = arith.addf %gather3A_423, %get3A_523 : vector<16xf32>
            %sub3A_525 = arith.subf %add3A_524, %mul3A_521 : vector<16xf32>
            %add3A_526 = arith.constant 9.99999993E-9 : f32
            %add3A_527 = vector.broadcast %add3A_526 : f32 to vector<16xf32>
            %add3A_528 = arith.addf %sub3A_525, %add3A_527 : vector<16xf32>
            %div3A_529 = arith.divf %mul3A_521, %add3A_528 : vector<16xf32>
            %mul3A_530 = arith.constant 16 : i32
            %mul3A_531 = arith.muli %add3A_499, %mul3A_530 : i32
            %add3A_532 = arith.addi %min3A_1, %mul3A_531 : i32
            %add3A_533 = vector.broadcast %add3A_532 : i32 to vector<16xi32>
            %add3A_534 = arith.addi %add3A_533, %iota3A : vector<16xi32>
            %ge3A_535 = arith.constant 2.000000e-01 : f32
            %ge3A_536 = vector.broadcast %ge3A_535 : f32 to vector<16xf32>
            %ge3A_537 = arith.cmpf oge, %div3A_529, %ge3A_536 : vector<16xf32>
            %eq3A_538 = arith.cmpi eq, %add3A_534, %broadcast_in_dim3A_427 : vector<16xi32>
            %or3A_539 = arith.ori %ge3A_537, %eq3A_538 : vector<16xi1>
            %get3A_540 = arith.index_cast %mul3A_501 : i32 to index
            %get3A_541 = tpu.vector_load %arg14[%get3A_540] {strides = array<i32>} : memref<320xf32, #tpu.memory_space<vmem>>, vector<16xf32>,
            %select_n3A_542 = arith.select %or3A_539, %broadcast_in_dim3A_8, %get3A_541 : vector<16xi1>, vector<16xf32>
            %swap3A_543 = arith.index_cast %mul3A_501 : i32 to index
            %swap3A_544 = tpu.vector_load %arg14[%swap3A_543] {strides = array<i32>} : memref<320xf32, #tpu.memory_space<vmem>>, vector<16xf32>,
            tpu.vector_store %arg14[%swap3A_543], %select_n3A_542 {strides = array<i32>} : memref<320xf32, #tpu.memory_space<vmem>>, vector<16xf32>,
            %mul3A_545 = arith.constant 4 : i32
            %mul3A_546 = arith.muli %scan3A_494, %mul3A_545 : i32
            %add3A_547 = arith.constant 1 : i32
            %add3A_548 = arith.addi %mul3A_546, %add3A_547 : i32
            %mul3A_549 = arith.constant 16 : i32
            %mul3A_550 = arith.muli %add3A_548, %mul3A_549 : i32
            %get3A_551 = arith.index_cast %mul3A_550 : i32 to index
            %get3A_552 = tpu.vector_load %arg9[%get3A_551] {strides = array<i32>} : memref<320xf32, #tpu.memory_space<vmem>>, vector<16xf32>,
            %max3A_553 = arith.maximumf %get3A_552, %gather3A_402 : vector<16xf32>
            %get3A_554 = arith.index_cast %mul3A_550 : i32 to index
            %get3A_555 = tpu.vector_load %arg10[%get3A_554] {strides = array<i32>} : memref<320xf32, #tpu.memory_space<vmem>>, vector<16xf32>,
            %max3A_556 = arith.maximumf %get3A_555, %gather3A_406 : vector<16xf32>
            %get3A_557 = arith.index_cast %mul3A_550 : i32 to index
            %get3A_558 = tpu.vector_load %arg11[%get3A_557] {strides = array<i32>} : memref<320xf32, #tpu.memory_space<vmem>>, vector<16xf32>,
            %min3A_559 = arith.minimumf %get3A_558, %gather3A_410 : vector<16xf32>
            %get3A_560 = arith.index_cast %mul3A_550 : i32 to index
            %get3A_561 = tpu.vector_load %arg12[%get3A_560] {strides = array<i32>} : memref<320xf32, #tpu.memory_space<vmem>>, vector<16xf32>,
            %min3A_562 = arith.minimumf %get3A_561, %gather3A_414 : vector<16xf32>
            %sub3A_563 = arith.subf %min3A_559, %max3A_553 : vector<16xf32>
            %max3A_564 = arith.constant 0.000000e+00 : f32
            %max3A_565 = vector.broadcast %max3A_564 : f32 to vector<16xf32>
            %max3A_566 = arith.maximumf %sub3A_563, %max3A_565 : vector<16xf32>
            %sub3A_567 = arith.subf %min3A_562, %max3A_556 : vector<16xf32>
            %max3A_568 = arith.constant 0.000000e+00 : f32
            %max3A_569 = vector.broadcast %max3A_568 : f32 to vector<16xf32>
            %max3A_570 = arith.maximumf %sub3A_567, %max3A_569 : vector<16xf32>
            %mul3A_571 = arith.mulf %max3A_566, %max3A_570 : vector<16xf32>
            %get3A_572 = arith.index_cast %mul3A_550 : i32 to index
            %get3A_573 = tpu.vector_load %arg13[%get3A_572] {strides = array<i32>} : memref<320xf32, #tpu.memory_space<vmem>>, vector<16xf32>,
            %add3A_574 = arith.addf %gather3A_423, %get3A_573 : vector<16xf32>
            %sub3A_575 = arith.subf %add3A_574, %mul3A_571 : vector<16xf32>
            %add3A_576 = arith.constant 9.99999993E-9 : f32
            %add3A_577 = vector.broadcast %add3A_576 : f32 to vector<16xf32>
            %add3A_578 = arith.addf %sub3A_575, %add3A_577 : vector<16xf32>
            %div3A_579 = arith.divf %mul3A_571, %add3A_578 : vector<16xf32>
            %mul3A_580 = arith.constant 16 : i32
            %mul3A_581 = arith.muli %add3A_548, %mul3A_580 : i32
            %add3A_582 = arith.addi %min3A_1, %mul3A_581 : i32
            %add3A_583 = vector.broadcast %add3A_582 : i32 to vector<16xi32>
            %add3A_584 = arith.addi %add3A_583, %iota3A : vector<16xi32>
            %ge3A_585 = arith.constant 2.000000e-01 : f32
            %ge3A_586 = vector.broadcast %ge3A_585 : f32 to vector<16xf32>
            %ge3A_587 = arith.cmpf oge, %div3A_579, %ge3A_586 : vector<16xf32>
            %eq3A_588 = arith.cmpi eq, %add3A_584, %broadcast_in_dim3A_427 : vector<16xi32>
            %or3A_589 = arith.ori %ge3A_587, %eq3A_588 : vector<16xi1>
            %get3A_590 = arith.index_cast %mul3A_550 : i32 to index
            %get3A_591 = tpu.vector_load %arg14[%get3A_590] {strides = array<i32>} : memref<320xf32, #tpu.memory_space<vmem>>, vector<16xf32>,
            %select_n3A_592 = arith.select %or3A_589, %broadcast_in_dim3A_8, %get3A_591 : vector<16xi1>, vector<16xf32>
            %swap3A_593 = arith.index_cast %mul3A_550 : i32 to index
            %swap3A_594 = tpu.vector_load %arg14[%swap3A_593] {strides = array<i32>} : memref<320xf32, #tpu.memory_space<vmem>>, vector<16xf32>,
            tpu.vector_store %arg14[%swap3A_593], %select_n3A_592 {strides = array<i32>} : memref<320xf32, #tpu.memory_space<vmem>>, vector<16xf32>,
            %mul3A_595 = arith.constant 4 : i32
            %mul3A_596 = arith.muli %scan3A_494, %mul3A_595 : i32
            %add3A_597 = arith.constant 2 : i32
            %add3A_598 = arith.addi %mul3A_596, %add3A_597 : i32
            %mul3A_599 = arith.constant 16 : i32
            %mul3A_600 = arith.muli %add3A_598, %mul3A_599 : i32
            %get3A_601 = arith.index_cast %mul3A_600 : i32 to index
            %get3A_602 = tpu.vector_load %arg9[%get3A_601] {strides = array<i32>} : memref<320xf32, #tpu.memory_space<vmem>>, vector<16xf32>,
            %max3A_603 = arith.maximumf %get3A_602, %gather3A_402 : vector<16xf32>
            %get3A_604 = arith.index_cast %mul3A_600 : i32 to index
            %get3A_605 = tpu.vector_load %arg10[%get3A_604] {strides = array<i32>} : memref<320xf32, #tpu.memory_space<vmem>>, vector<16xf32>,
            %max3A_606 = arith.maximumf %get3A_605, %gather3A_406 : vector<16xf32>
            %get3A_607 = arith.index_cast %mul3A_600 : i32 to index
            %get3A_608 = tpu.vector_load %arg11[%get3A_607] {strides = array<i32>} : memref<320xf32, #tpu.memory_space<vmem>>, vector<16xf32>,
            %min3A_609 = arith.minimumf %get3A_608, %gather3A_410 : vector<16xf32>
            %get3A_610 = arith.index_cast %mul3A_600 : i32 to index
            %get3A_611 = tpu.vector_load %arg12[%get3A_610] {strides = array<i32>} : memref<320xf32, #tpu.memory_space<vmem>>, vector<16xf32>,
            %min3A_612 = arith.minimumf %get3A_611, %gather3A_414 : vector<16xf32>
            %sub3A_613 = arith.subf %min3A_609, %max3A_603 : vector<16xf32>
            %max3A_614 = arith.constant 0.000000e+00 : f32
            %max3A_615 = vector.broadcast %max3A_614 : f32 to vector<16xf32>
            %max3A_616 = arith.maximumf %sub3A_613, %max3A_615 : vector<16xf32>
            %sub3A_617 = arith.subf %min3A_612, %max3A_606 : vector<16xf32>
            %max3A_618 = arith.constant 0.000000e+00 : f32
            %max3A_619 = vector.broadcast %max3A_618 : f32 to vector<16xf32>
            %max3A_620 = arith.maximumf %sub3A_617, %max3A_619 : vector<16xf32>
            %mul3A_621 = arith.mulf %max3A_616, %max3A_620 : vector<16xf32>
            %get3A_622 = arith.index_cast %mul3A_600 : i32 to index
            %get3A_623 = tpu.vector_load %arg13[%get3A_622] {strides = array<i32>} : memref<320xf32, #tpu.memory_space<vmem>>, vector<16xf32>,
            %add3A_624 = arith.addf %gather3A_423, %get3A_623 : vector<16xf32>
            %sub3A_625 = arith.subf %add3A_624, %mul3A_621 : vector<16xf32>
            %add3A_626 = arith.constant 9.99999993E-9 : f32
            %add3A_627 = vector.broadcast %add3A_626 : f32 to vector<16xf32>
            %add3A_628 = arith.addf %sub3A_625, %add3A_627 : vector<16xf32>
            %div3A_629 = arith.divf %mul3A_621, %add3A_628 : vector<16xf32>
            %mul3A_630 = arith.constant 16 : i32
            %mul3A_631 = arith.muli %add3A_598, %mul3A_630 : i32
            %add3A_632 = arith.addi %min3A_1, %mul3A_631 : i32
            %add3A_633 = vector.broadcast %add3A_632 : i32 to vector<16xi32>
            %add3A_634 = arith.addi %add3A_633, %iota3A : vector<16xi32>
            %ge3A_635 = arith.constant 2.000000e-01 : f32
            %ge3A_636 = vector.broadcast %ge3A_635 : f32 to vector<16xf32>
            %ge3A_637 = arith.cmpf oge, %div3A_629, %ge3A_636 : vector<16xf32>
            %eq3A_638 = arith.cmpi eq, %add3A_634, %broadcast_in_dim3A_427 : vector<16xi32>
            %or3A_639 = arith.ori %ge3A_637, %eq3A_638 : vector<16xi1>
            %get3A_640 = arith.index_cast %mul3A_600 : i32 to index
            %get3A_641 = tpu.vector_load %arg14[%get3A_640] {strides = array<i32>} : memref<320xf32, #tpu.memory_space<vmem>>, vector<16xf32>,
            %select_n3A_642 = arith.select %or3A_639, %broadcast_in_dim3A_8, %get3A_641 : vector<16xi1>, vector<16xf32>
            %swap3A_643 = arith.index_cast %mul3A_600 : i32 to index
            %swap3A_644 = tpu.vector_load %arg14[%swap3A_643] {strides = array<i32>} : memref<320xf32, #tpu.memory_space<vmem>>, vector<16xf32>,
            tpu.vector_store %arg14[%swap3A_643], %select_n3A_642 {strides = array<i32>} : memref<320xf32, #tpu.memory_space<vmem>>, vector<16xf32>,
            %mul3A_645 = arith.constant 4 : i32
            %mul3A_646 = arith.muli %scan3A_494, %mul3A_645 : i32
            %add3A_647 = arith.constant 3 : i32
            %add3A_648 = arith.addi %mul3A_646, %add3A_647 : i32
            %mul3A_649 = arith.constant 16 : i32
            %mul3A_650 = arith.muli %add3A_648, %mul3A_649 : i32
            %get3A_651 = arith.index_cast %mul3A_650 : i32 to index
            %get3A_652 = tpu.vector_load %arg9[%get3A_651] {strides = array<i32>} : memref<320xf32, #tpu.memory_space<vmem>>, vector<16xf32>,
            %max3A_653 = arith.maximumf %get3A_652, %gather3A_402 : vector<16xf32>
            %get3A_654 = arith.index_cast %mul3A_650 : i32 to index
            %get3A_655 = tpu.vector_load %arg10[%get3A_654] {strides = array<i32>} : memref<320xf32, #tpu.memory_space<vmem>>, vector<16xf32>,
            %max3A_656 = arith.maximumf %get3A_655, %gather3A_406 : vector<16xf32>
            %get3A_657 = arith.index_cast %mul3A_650 : i32 to index
            %get3A_658 = tpu.vector_load %arg11[%get3A_657] {strides = array<i32>} : memref<320xf32, #tpu.memory_space<vmem>>, vector<16xf32>,
            %min3A_659 = arith.minimumf %get3A_658, %gather3A_410 : vector<16xf32>
            %get3A_660 = arith.index_cast %mul3A_650 : i32 to index
            %get3A_661 = tpu.vector_load %arg12[%get3A_660] {strides = array<i32>} : memref<320xf32, #tpu.memory_space<vmem>>, vector<16xf32>,
            %min3A_662 = arith.minimumf %get3A_661, %gather3A_414 : vector<16xf32>
            %sub3A_663 = arith.subf %min3A_659, %max3A_653 : vector<16xf32>
            %max3A_664 = arith.constant 0.000000e+00 : f32
            %max3A_665 = vector.broadcast %max3A_664 : f32 to vector<16xf32>
            %max3A_666 = arith.maximumf %sub3A_663, %max3A_665 : vector<16xf32>
            %sub3A_667 = arith.subf %min3A_662, %max3A_656 : vector<16xf32>
            %max3A_668 = arith.constant 0.000000e+00 : f32
            %max3A_669 = vector.broadcast %max3A_668 : f32 to vector<16xf32>
            %max3A_670 = arith.maximumf %sub3A_667, %max3A_669 : vector<16xf32>
            %mul3A_671 = arith.mulf %max3A_666, %max3A_670 : vector<16xf32>
            %get3A_672 = arith.index_cast %mul3A_650 : i32 to index
            %get3A_673 = tpu.vector_load %arg13[%get3A_672] {strides = array<i32>} : memref<320xf32, #tpu.memory_space<vmem>>, vector<16xf32>,
            %add3A_674 = arith.addf %gather3A_423, %get3A_673 : vector<16xf32>
            %sub3A_675 = arith.subf %add3A_674, %mul3A_671 : vector<16xf32>
            %add3A_676 = arith.constant 9.99999993E-9 : f32
            %add3A_677 = vector.broadcast %add3A_676 : f32 to vector<16xf32>
            %add3A_678 = arith.addf %sub3A_675, %add3A_677 : vector<16xf32>
            %div3A_679 = arith.divf %mul3A_671, %add3A_678 : vector<16xf32>
            %mul3A_680 = arith.constant 16 : i32
            %mul3A_681 = arith.muli %add3A_648, %mul3A_680 : i32
            %add3A_682 = arith.addi %min3A_1, %mul3A_681 : i32
            %add3A_683 = vector.broadcast %add3A_682 : i32 to vector<16xi32>
            %add3A_684 = arith.addi %add3A_683, %iota3A : vector<16xi32>
            %ge3A_685 = arith.constant 2.000000e-01 : f32
            %ge3A_686 = vector.broadcast %ge3A_685 : f32 to vector<16xf32>
            %ge3A_687 = arith.cmpf oge, %div3A_679, %ge3A_686 : vector<16xf32>
            %eq3A_688 = arith.cmpi eq, %add3A_684, %broadcast_in_dim3A_427 : vector<16xi32>
            %or3A_689 = arith.ori %ge3A_687, %eq3A_688 : vector<16xi1>
            %get3A_690 = arith.index_cast %mul3A_650 : i32 to index
            %get3A_691 = tpu.vector_load %arg14[%get3A_690] {strides = array<i32>} : memref<320xf32, #tpu.memory_space<vmem>>, vector<16xf32>,
            %select_n3A_692 = arith.select %or3A_689, %broadcast_in_dim3A_8, %get3A_691 : vector<16xi1>, vector<16xf32>
            %swap3A_693 = arith.index_cast %mul3A_650 : i32 to index
            %swap3A_694 = tpu.vector_load %arg14[%swap3A_693] {strides = array<i32>} : memref<320xf32, #tpu.memory_space<vmem>>, vector<16xf32>,
            tpu.vector_store %arg14[%swap3A_693], %select_n3A_692 {strides = array<i32>} : memref<320xf32, #tpu.memory_space<vmem>>, vector<16xf32>,
            %scan3A_695 = arith.constant 0 : i32
            scf.yield %scan3A_695 : i32
          }
          %scan3A_493 = arith.constant 5 : i32
        } else {
        }
        %eq3A_479 = arith.constant 0 : i32
        %eq3A_480 = arith.cmpi eq, %arg1, %eq3A_479 : i32
        %and3A_481 = arith.andi %and3A_359, %eq3A_480 : i1
        %convert_element_type3A_482 = arith.extui %and3A_481 : i1 to i32
        %cond3A_483 = arith.constant 0 : i32
        %cond3A_484 = arith.cmpi ne, %convert_element_type3A_482, %cond3A_483 : i32
        scf.if %cond3A_484 {
          %eq3A_487 = arith.constant 1 : i32
          %eq3A_488 = vector.broadcast %eq3A_487 : i32 to vector<16xi32>
          %eq3A_489 = arith.cmpi eq, %iota3A, %eq3A_488 : vector<16xi32>
          %select_n3A_490 = arith.select %eq3A_489, %gather3A_406, %gather3A_402 : vector<16xi1>, vector<16xf32>
          %eq3A_491 = arith.constant 2 : i32
          %eq3A_492 = vector.broadcast %eq3A_491 : i32 to vector<16xi32>
          %eq3A_493 = arith.cmpi eq, %iota3A, %eq3A_492 : vector<16xi32>
          %select_n3A_494 = arith.select %eq3A_493, %gather3A_410, %select_n3A_490 : vector<16xi1>, vector<16xf32>
          %eq3A_495 = arith.constant 3 : i32
          %eq3A_496 = vector.broadcast %eq3A_495 : i32 to vector<16xi32>
          %eq3A_497 = arith.cmpi eq, %iota3A, %eq3A_496 : vector<16xi32>
          %select_n3A_498 = arith.select %eq3A_497, %gather3A_414, %select_n3A_494 : vector<16xi1>, vector<16xf32>
          %mul3A_499 = arith.constant 4 : i32
          %mul3A_500 = arith.muli %mul3A_499, %while3A_304 : i32
          %add3A_501 = vector.broadcast %mul3A_500 : i32 to vector<16xi32>
          %add3A_502 = arith.addi %add3A_501, %iota3A : vector<16xi32>
          %lt3A_503 = arith.constant 4 : i32
          %lt3A_504 = vector.broadcast %lt3A_503 : i32 to vector<16xi32>
          %lt3A_505 = arith.cmpi slt, %iota3A, %lt3A_504 : vector<16xi32>
          tpu.vector_store_idx %arg18[%add3A_502], %select_n3A_498 masked %lt3A_505 : memref<448xf32, #tpu.memory_space<vmem>>[vector<16xi32>], vector<16xf32>, vector<16xi1>
          %broadcast_in_dim3A_506 = vector.broadcast %while3A_304 : i32 to vector<16xi32>
          %broadcast_in_dim3A_507 = vector.broadcast %reduce_max3A_313 : f32 to vector<16xf32>
          %eq3A_508 = arith.constant 0 : i32
          %eq3A_509 = vector.broadcast %eq3A_508 : i32 to vector<16xi32>
          %eq3A_510 = arith.cmpi eq, %iota3A, %eq3A_509 : vector<16xi32>
          tpu.vector_store_idx %arg19[%broadcast_in_dim3A_506], %broadcast_in_dim3A_507 masked %eq3A_510 : memref<112xf32, #tpu.memory_space<vmem>>[vector<16xi32>], vector<16xf32>, vector<16xi1>
          %eq3A_511 = arith.constant 0 : i32
          %eq3A_512 = vector.broadcast %eq3A_511 : i32 to vector<16xi32>
          %eq3A_513 = arith.cmpi eq, %iota3A, %eq3A_512 : vector<16xi32>
          tpu.vector_store_idx %arg20[%broadcast_in_dim3A_506], %bitcast3A_419 masked %eq3A_513 : memref<112xi32, #tpu.memory_space<vmem>>[vector<16xi32>], vector<16xi32>, vector<16xi1>
        } else {
        }
        %convert_element_type3A_485 = arith.extui %and3A_359 : i1 to i32
        %add3A_486 = arith.addi %while3A_304, %convert_element_type3A_485 : i32
        scf.yield %and3A_359, %add3A_486, %or3A_474, %or3A_475 : i1, i32, vector<16xi1>, vector<16xi1>
      }
      %gt3A_300 = arith.cmpi sgt, %while3A_299#1, %while3A_45 : i32
      %lt3A = arith.constant 100 : i32
      %lt3A_301 = arith.cmpi slt, %while3A_299#1, %lt3A : i32
      %and3A_302 = arith.andi %gt3A_300, %lt3A_301 : i1
      scf.yield %while3A_299#1, %and3A_302 : i32, i1
    }
    %eq3A = arith.constant 0 : i32
    %eq3A_43 = arith.cmpi eq, %arg1, %eq3A : i32
    %convert_element_type3A = arith.extui %eq3A_43 : i1 to i32
    %cond3A = arith.constant 0 : i32
    %cond3A_44 = arith.cmpi ne, %convert_element_type3A, %cond3A : i32
    scf.if %cond3A_44 {
      "tpu.region"() ({
        %run_scoped3A = tpu.sem_alloc : memref<!tpu.dma_semaphore, #tpu.memory_space<semaphore_mem>>
        tpu.enqueue_dma source(%arg18 : memref<448xf32, #tpu.memory_space<vmem>>) target(%arg4 : memref<448xf32, #tpu.memory_space<hbm>>) target_semaphore(%run_scoped3A : memref<!tpu.dma_semaphore, #tpu.memory_space<semaphore_mem>>)
        tpu.wait_dma2 semaphore(%run_scoped3A : memref<!tpu.dma_semaphore, #tpu.memory_space<semaphore_mem>>) src(%arg18 : memref<448xf32, #tpu.memory_space<vmem>>) dst(%arg4 : memref<448xf32, #tpu.memory_space<hbm>>)
        tpu.yield
      }) : () -> ()
      "tpu.region"() ({
        %run_scoped3A = tpu.sem_alloc : memref<!tpu.dma_semaphore, #tpu.memory_space<semaphore_mem>>
        tpu.enqueue_dma source(%arg19 : memref<112xf32, #tpu.memory_space<vmem>>) target(%arg5 : memref<112xf32, #tpu.memory_space<hbm>>) target_semaphore(%run_scoped3A : memref<!tpu.dma_semaphore, #tpu.memory_space<semaphore_mem>>)
        tpu.wait_dma2 semaphore(%run_scoped3A : memref<!tpu.dma_semaphore, #tpu.memory_space<semaphore_mem>>) src(%arg19 : memref<112xf32, #tpu.memory_space<vmem>>) dst(%arg5 : memref<112xf32, #tpu.memory_space<hbm>>)
        tpu.yield
      }) : () -> ()
      "tpu.region"() ({
        %run_scoped3A = tpu.sem_alloc : memref<!tpu.dma_semaphore, #tpu.memory_space<semaphore_mem>>
        tpu.enqueue_dma source(%arg20 : memref<112xi32, #tpu.memory_space<vmem>>) target(%arg6 : memref<112xi32, #tpu.memory_space<hbm>>) target_semaphore(%run_scoped3A : memref<!tpu.dma_semaphore, #tpu.memory_space<semaphore_mem>>)
        tpu.wait_dma2 semaphore(%run_scoped3A : memref<!tpu.dma_semaphore, #tpu.memory_space<semaphore_mem>>) src(%arg20 : memref<112xi32, #tpu.memory_space<vmem>>) dst(%arg6 : memref<112xi32, #tpu.memory_space<hbm>>)
        tpu.yield
      }) : () -> ()
    } else {
    }
    return
  }
}

</mosaic_0001>

<sc_bundles>
// kernel: kernel.3.cloned.1.call-start
scs
__scs_entry_jumppad:
0x0: {  	(pc) =	sbr.rel $0x88, $3  }
0x1: {  	(tag) =	ssettag $0x0;
	lr =	simm.s32 $0x1  }
0x2: {  	[smem:$0x3F9F] =	sst lr;
	_ =	strace $0xD0000000  }
0x3: {  	_ = 	snop  }
0x4: {  	_ = 	snop  }
0x5: {  	_ = 	snop  }
0x6: {  	_ = 	snop  }
0x7: {  	_ = 	snop  }
__scs_overlays_trampoline_lowered:
0x8: {  	[smem:$0x3FAE] =	sst s0  }
0x9: {  	[smem:$0x3FAF] =	sst s1  }
0xa: {  	[smem:$0x3FB0] =	sst s2  }
0xb: {  	[smem:$0x3FB1] =	sst s3  }
0xc: {  	[smem:$0x3FB2] =	sst s4  }
0xd: {  	[smem:$0x3FB3] =	sst s5  }
0xe: {  	[smem:$0x3FB4] =	sst s6  }
0xf: {  	[smem:$0x3FB5] =	sst s7  }
0x10: {  	[smem:$0x3FB6] =	sst s8  }
0x11: {  	[smem:$0x3FB7] =	sst s9;
	s0 =	simm.s32 @!p0 $0x0  }
0x12: {  	s1 =	sld [smem:$0x3F9D];
	s0 =	simm.s32 @p0 $0x1  }
0x13: {  	[smem:$0x3FB8] =	sst s0;
	s0 =	simm.s32 @!p1 $0x0  }
0x14: {  	s2 =	sld [smem:$0x3F9C];
	s0 =	simm.s32 @p1 $0x1  }
0x15: {  	[smem:$0x3FB9] =	sst s0;
	s0 =	simm.s32 @!p2 $0x0  }
0x16: {  	s3 =	sld [smem:$0x3FDB];
	s0 =	simm.s32 @p2 $0x1  }
0x17: {  	s4 =	simm.s32 $0x1BF5;
	[smem:$0x3FBB] =	sst s0  }
0x18: {  	s0 =	sld [smem:$0x3F9E];
	_ =	swait.ge [sflag:s4], $0x0  }
0x19: {  	s7 =	sld [smem:$0x3F9F]  }
0x1a: {  	s8 =	sadd.s32 $0xFFFFE003, lr  }
0x1b: {  	s9 =	sadd.s32 $0xFFFFFEF7, lr;
	s5 =	simm.s32 $0xFFFFFFFF;
	p2 =	slt.u32 s8, $0xFFFFF086  }
0x1c: {  	p1 =	slt.u32 s9, $0xF7A;
	s5 =	simm.s32 @!p2 $0x0  }
0x1d: {  	s5 =	simm.s32 @p1 $0x1;
	p0 =	seq.s32 s7, s2  }
0x1e: {  	s7 =	smul.u32 @!p0 $0xF7A, s2;
	p2 =	seq.s32 @!p0 s5, $0x0  }
0x1f: {  	s9 =	smul.u32 $0xF7A, s1;
	s8 =	simm.s32 @!p0 $0x1BF5;
	p2 =	por !p2, p0  }
0x20: {  	[sflag:s8] =	ssyncset.s32 @!p0 $0xFFFFF086;
	s6 =	sadd.s32 @!p0 s3, s7;
	s7 =	simm.s32 @!p0 $0x108  }
0x21: {  	s3 =	sadd.s32 s3, s9;
	s6 =	sadd.s32 @!p0 $0x88, s6;
	s7 =	simm.s32 @p2 $0x1082  }
0x22: {  	[simem:s7], [sflag:s8] =	dma.local @!p0 [hbm:s6], $0xF7A  }
0x23: {  	s9 =	sor.u32 $0xD0000000, s2;
	s6 =	simm.s32 $0x108;
	_ =	swait.ge @!p0 [sflag:s8], $0x0  }
0x24: {  	s3 =	sadd.s32 $0x88, s3;
	s6 =	simm.s32 @!p1 $0x1082;
	[sflag:s4] =	ssyncset.s32 $0xFFFFF086  }
0x25: {  	[simem:s6], [sflag:s4] =	dma.local [hbm:s3], $0xF7A  }
0x26: {  	[smem:$0x3F9F] =	sst s1;
	(tag) =	ssettag s2;
	_ =	strace s9  }
0x27: {  	s1 =	sld [smem:$0x3FAF]  }
0x28: {  	s2 =	sld [smem:$0x3FB0]  }
0x29: {  	s4 =	sld [smem:$0x3FB2]  }
0x2a: {  	p0 =	seq.s32 s5, $0x0;
	s5 =	sld [smem:$0x3FB3]  }
0x2b: {  	s6 =	sld [smem:$0x3FB4]  }
0x2c: {  	s7 =	sld [smem:$0x3FB5]  }
0x2d: {  	s3 =	simm.s32 $0x108;
	s8 =	sld [smem:$0x3FB6]  }
0x2e: {  	s3 =	simm.s32 @!p0 $0x1082;
	s9 =	sld [smem:$0x3FB7]  }
0x2f: {  	lr =	sadd.s32 s0, s3;
	s0 =	sld [smem:$0x3FAE]  }
0x30: {  	s3 =	sld [smem:$0x3FB1]  }
0x31: {  	[smem:$0x3FBA] =	sst s10  }
0x32: {  	s10 =	sld [smem:$0x3FB8];
	_ =	sdelay $0x3  }
0x33: {  	p0 =	seq.s32 s10, $0x1;
	s10 =	sld [smem:$0x3FBA];
	_ =	sdelay $0x3  }
0x34: {  	[smem:$0x3FBA] =	sst s10  }
0x35: {  	s10 =	sld [smem:$0x3FB9];
	_ =	sdelay $0x3  }
0x36: {  	p1 =	seq.s32 s10, $0x1;
	s10 =	sld [smem:$0x3FBA];
	_ =	sdelay $0x3  }
0x37: {  	[smem:$0x3FBA] =	sst s10  }
0x38: {  	s10 =	sld [smem:$0x3FBB]  }
0x39: {  	_ = 	snop;
	(pc) =	sbr.ind lr, $3  }
0x3a: {  	_ = 	snop  }
0x3b: {  	_ = 	snop  }
0x3c: {  	p2 =	seq.s32 s10, $0x1;
	s10 =	sld [smem:$0x3FBA]  }
0x3d: {  	_ =	shalt  }
0x3e: {  	_ =	shalt  }
0x3f: {  	_ =	shalt  }
0x40: {  	_ =	shalt  }
0x41: {  	_ =	shalt  }
0x42: {  	_ =	shalt  }
0x43: {  	_ =	shalt  }
0x44: {  	_ =	shalt  }
0x45: {  	_ =	shalt  }
0x46: {  	_ =	shalt  }
0x47: {  	_ =	shalt  }
0x48: {  	_ =	shalt  }
0x49: {  	_ =	shalt  }
0x4a: {  	_ =	shalt  }
0x4b: {  	_ =	shalt  }
0x4c: {  	_ =	shalt  }
0x4d: {  	_ =	shalt  }
0x4e: {  	_ =	shalt  }
0x4f: {  	_ =	shalt  }
0x50: {  	_ =	shalt  }
0x51: {  	_ =	shalt  }
0x52: {  	_ =	shalt  }
0x53: {  	_ =	shalt  }
0x54: {  	_ =	shalt  }
0x55: {  	_ =	shalt  }
0x56: {  	_ =	shalt  }
0x57: {  	_ =	shalt  }
0x58: {  	_ =	shalt  }
0x59: {  	_ =	shalt  }
0x5a: {  	_ =	shalt  }
0x5b: {  	_ =	shalt  }
0x5c: {  	_ =	shalt  }
0x5d: {  	_ =	shalt  }
0x5e: {  	_ =	shalt  }
0x5f: {  	_ =	shalt  }
0x60: {  	_ =	shalt  }
0x61: {  	_ =	shalt  }
0x62: {  	_ =	shalt  }
0x63: {  	_ =	shalt  }
0x64: {  	_ =	shalt  }
0x65: {  	_ =	shalt  }
0x66: {  	_ =	shalt  }
0x67: {  	_ =	shalt  }
0x68: {  	_ =	shalt  }
0x69: {  	_ =	shalt  }
0x6a: {  	_ =	shalt  }
0x6b: {  	_ =	shalt  }
0x6c: {  	_ =	shalt  }
0x6d: {  	_ =	shalt  }
0x6e: {  	_ =	shalt  }
0x6f: {  	_ =	shalt  }
0x70: {  	_ =	shalt  }
0x71: {  	_ =	shalt  }
0x72: {  	_ =	shalt  }
0x73: {  	_ =	shalt  }
0x74: {  	_ =	shalt  }
0x75: {  	_ =	shalt  }
0x76: {  	_ =	shalt  }
0x77: {  	_ =	shalt  }
0x78: {  	_ =	shalt  }
0x79: {  	_ =	shalt  }
0x7a: {  	_ =	shalt  }
0x7b: {  	_ =	shalt  }
0x7c: {  	_ =	shalt  }
0x7d: {  	_ =	shalt  }
0x7e: {  	_ =	shalt  }
0x7f: {  	_ =	shalt  }
0x80: {  	_ =	shalt  }
0x81: {  	_ =	shalt  }
0x82: {  	_ =	shalt  }
0x83: {  	_ =	shalt  }
0x84: {  	_ =	shalt  }
0x85: {  	_ =	shalt  }
0x86: {  	_ =	shalt  }
0x87: {  	_ =	shalt  }
.Lfunc_end0:
.L_simem_size_0:
called_computation_lowered:
.L_overlay_start_0:
0x88: {  	s0 =	sld [smem:$0x3FD9]  }
0x89: {  	s1 =	sld [smem:$0x3FFE];
	_ =	sdelay $0x3  }
0x8a: {  	s0 =	sadd.s32 s1, s0  }
0x8b: {  	[smem:$0x3FC6] =	sst s0  }
0x8c: {  	_ = 	snop  }
0x8d: {  	s0 =	sld [smem:$0x3FD0];
	_ =	sdelay $0x2  }
0x8e: {  	s13 =	simm.s32 $0xA;
	s2 =	simm.s32 $0x10  }
0x8f: {  	[smem:s2], [sflag:s13] =	dma.local [hbm:s0], $0x1  }
0x90: {  	_ =	swait.eq [sflag:s13], $0x1  }
0x91: {  	[sflag:s13] =	ssyncset.done $0x0  }
0x92: {  	s14 =	sld [smem:$0x10];
	[sflag:s13] =	ssyncadd.s32 $0xFFFFFFFF  }
0x93: {  	s15 =	sld [smem:$0x12];
	(tm) =	ssettm $0x1  }
0x94: {  	s16 =	sld [smem:$0x3FFB];
	_ =	sdelay $0x3  }
0x95: {  	_ =	strace s16  }
0x96: {  	s2 =	sld [smem:$0x3FFC];
	_ =	sdelay $0x3  }
0x97: {  	_ =	strace s2  }
0x98: {  	s2 =	sld [smem:$0x3FFD];
	_ =	sdelay $0x3  }
0x99: {  	_ =	strace s2  }
0x9a: {  	_ =	strace $0x8FFFFFFF  }
0x9b: {  	s17 =	sld [smem:$0x3FDB];
	_ =	sdelay $0x1  }
0x9c: {  	s3 =	simm.s32 $_scs_section_size  }
0x9d: {  	s4 =	simm.s32 $_size__tile_overlayer_lowered;
	s5 =	simm.s32 $_tile_overlayer_lowered  }
0x9e: {  	s20 =	simm.s32 $0x1BFF;
	s19 =	sshll.u32 s5, $0x1;
	s2 =	sadd.s32 s3, s17  }
0x9f: {  	s6 =	simm.s32 $0x0;
	s18 =	sshll.u32 s4, $0x1;
	s4 =	sadd.s32 s19, s2  }
0xa0: {  	[timem:s6], [sflag:s20] =	dma.local [hbm:s4], s18  }
0xa1: {  	_ =	swait.ge [sflag:s20], s18  }
0xa2: {  	s3 =	ssub.s32 $0x0, s18;
	[sflag:s20] =	ssyncset.done $0x0  }
0xa3: {  	[sflag:s20] =	ssyncadd.s32 s3;
	_ =	sdelay $0x1  }
0xa4: {  	s21 =	simm.s32 $0x1B8B  }
0xa5: {  	_ =	swait.ge [sflag:s21], $0x1  }
0xa6: {  	[sflag:s21] =	ssyncset.done $0x0  }
0xa7: {  	s23 =	simm.s32 $0x1B8E;
	s22 =	sld [smem:$0x3FFE];
	[sflag:s21] =	ssyncadd.s32 $0xFFFFFFFF  }
0xa8: {  	s24 =	simm.s32 $execute0_lowered;
	[smem:$0x3FD2] =	sst s23  }
0xa9: {  	s4 =	sshll.u32 s24, $0x1;
	_ =	strace $0x80000046;
	[dreg:$0x1] =	wrdreg $0xFFFFFFFF  }
0xaa: {  	s25 =	simm.s32 $_size_execute0_lowered;
	s2 =	sadd.s32 s2, s4;
	[dreg:$0x0] =	wrdreg $0x0  }
0xab: {  	s4 =	sshll.u32 s25, $0x1;
	[dreg:$0x2] =	wrdreg s2  }
0xac: {  	[dreg:$0x3] =	wrdreg s4  }
0xad: {  	[dreg:$0x4] =	wrdreg $0xC0  }
0xae: {  	_ =	task [dreg:s6], $0x5FFFF  }
0xaf: {  	[dreg:$0x1] =	wrdreg $0xFFFFFFFF  }
0xb0: {  	[dreg:$0x0] =	wrdreg $0x60  }
0xb1: {  	[dreg:$0x2] =	wrdreg s22  }
0xb2: {  	[dreg:$0x3] =	wrdreg s14  }
0xb3: {  	[dreg:$0x4] =	wrdreg s15  }
0xb4: {  	[dreg:$0x5] =	wrdreg $0x78000  }
0xb5: {  	[dreg:$0x6] =	wrdreg $0x9  }
0xb6: {  	_ =	task.clear_ibuf [dreg:s6], $0x7FFFF;
	_ =	strace $0x90000046  }
0xb7: {  	s26 =	simm.s32 $0x9;
	_ =	strace $0x80000048  }
0xb8: {  	_ =	swait.ge [sflag:s26], $0x1  }
0xb9: {  	[sflag:s26] =	ssyncadd.s32 $0xFFFFFFFF  }
0xba: {  	_ =	strace $0x90000048  }
0xbb: {  	_ =	sfence  }
0xbc: {  	s28 =	sld [smem:$0x0];
	_ =	sdelay $0x1  }
0xbd: {  	s29 =	srdreg.scid  }
0xbe: {  	s30 =	sshll.u32 s29, $0xD;
	s31 =	sshrl.u32 s29, $0x2  }
0xbf: {  	s1 =	sand.u32 $0x1, s29;
	s2 =	sand.u32 $0x4000, s30;
	s0 =	sadd.s32 s31, s28  }
0xc0: {  	s1 =	sor.u32 s2, s1;
	s0 =	sshll.u32 s0, $0x11  }
0xc1: {  	s0 =	sor.u32 s0, s1  }
0xc2: {  	s0 =	sadd.s32 $0x8F2B, s0  }
0xc3: {  	[sflag:s0] =	ssyncadd.remote.s32 $0x1  }
0xc4: {  	_ =	sfence.sel $0xFFFF  }
0xc5: {  	[dreg:$0x0] =	wrdreg $0xFFFFFFFF;
	(pc) =	sbr.abs _section_cstart, $3  }
0xc6: {  	[dreg:$0x1] =	wrdreg $0xFFFFFFFF  }
0xc7: {  	_ =	task.clear_ibuf [dreg:s6], $0x2FFFF;
	_ =	strace $0x9FFFFFFF  }
0xc8: {  	(tm) =	ssettm $0x7FFFFFFF  }
0xc9: {  	_ =	shalt  }
tec
execute0_lowered:
.L_overlay_start_1:
0x0: {  	(tag) =	ssettag $0x1  }
0x1: {  	s15 =	stileid.u32  }
0x2: {  	s5 =	rddreg [dreg:$0x0];
	s8 =	smul.u32 $0x140, s15  }
0x3: {  	s2 =	rddreg [dreg:$0x1]  }
0x4: {  	s1 =	rddreg [dreg:$0x2];
	s3 =	smin.u32 s8, $0x1248  }
0x5: {  	s4 =	rddreg [dreg:$0x3];
	s7 =	smul.u32 $0xA, s3  }
0x6: {  	s0 =	rddreg [dreg:$0x4];
	s6 =	simm.s32 $0x0  }
0x7: {  	[smem:$0x7FF] =	sst s6;
	s9 =	sshrl.u32 s3, $0x1;
	s7 =	sadd.s32 s7, s5  }
0x8: {  	_ =	strace $0x80000047;
	s9 =	sadd.s32 s9, s5;
	s7 =	sadd.s32 $0x1400, s7  }
0x9: {  	[tilespmem:s6], [sflag:$0x1] =	stream.linear.gather [hbm4b:s7+s6], $0x6400, $0x38;
	[tilespmem:$0x7820] =	vst v63  }
0xa: {  	s9 =	sadd.s32 $0xA00, s9;
	s7 =	simm.s32 $0x6400  }
0xb: {  	v1 =	vimm.f32 $0.0e+00;
	[tilespmem:s7], [sflag:$0x1] =	stream.linear.gather [hbm4b:s9+s6], $0x500, $0x38;
	[tilespmem:$0x7820] =	vst v63  }
0xc: {  	[tilespmem:$0x7500] =	vst v1  }
0xd: {  	[tilespmem:$0x7510] =	vst v1  }
0xe: {  	[tilespmem:$0x7520] =	vst v1  }
0xf: {  	[tilespmem:$0x7530] =	vst v1  }
0x10: {  	[tilespmem:$0x7540] =	vst v1  }
0x11: {  	[tilespmem:$0x7550] =	vst v1  }
0x12: {  	[tilespmem:$0x7560] =	vst v1  }
0x13: {  	[tilespmem:$0x7570] =	vst v1  }
0x14: {  	[tilespmem:$0x7580] =	vst v1  }
0x15: {  	[tilespmem:$0x7590] =	vst v1  }
0x16: {  	[tilespmem:$0x75A0] =	vst v1  }
0x17: {  	[tilespmem:$0x75B0] =	vst v1  }
0x18: {  	[tilespmem:$0x75C0] =	vst v1  }
0x19: {  	[tilespmem:$0x75D0] =	vst v1  }
0x1a: {  	[tilespmem:$0x75E0] =	vst v1  }
0x1b: {  	[tilespmem:$0x75F0] =	vst v1  }
0x1c: {  	[tilespmem:$0x7600] =	vst v1  }
0x1d: {  	[tilespmem:$0x7610] =	vst v1  }
0x1e: {  	[tilespmem:$0x7620] =	vst v1  }
0x1f: {  	[tilespmem:$0x7630] =	vst v1  }
0x20: {  	[tilespmem:$0x7640] =	vst v1  }
0x21: {  	[tilespmem:$0x7650] =	vst v1  }
0x22: {  	[tilespmem:$0x7660] =	vst v1  }
0x23: {  	[tilespmem:$0x7670] =	vst v1  }
0x24: {  	[tilespmem:$0x7680] =	vst v1  }
0x25: {  	[tilespmem:$0x7690] =	vst v1  }
0x26: {  	[tilespmem:$0x76A0] =	vst v1  }
0x27: {  	[tilespmem:$0x76B0] =	vst v1  }
0x28: {  	v0 =	vimm.s32 $0x0;
	[tilespmem:$0x7700] =	vst v1  }
0x29: {  	[tilespmem:$0x7780] =	vst v0  }
0x2a: {  	[tilespmem:$0x7710] =	vst v1  }
0x2b: {  	[tilespmem:$0x7790] =	vst v0  }
0x2c: {  	[tilespmem:$0x7720] =	vst v1  }
0x2d: {  	[tilespmem:$0x77A0] =	vst v0  }
0x2e: {  	[tilespmem:$0x7730] =	vst v1  }
0x2f: {  	[tilespmem:$0x77B0] =	vst v0  }
0x30: {  	[tilespmem:$0x7740] =	vst v1  }
0x31: {  	[tilespmem:$0x77C0] =	vst v0  }
0x32: {  	[tilespmem:$0x7750] =	vst v1  }
0x33: {  	[tilespmem:$0x77D0] =	vst v0  }
0x34: {  	[tilespmem:$0x7760] =	vst v1  }
0x35: {  	s31 =	simm.s32 $0x1;
	[tilespmem:$0x77E0] =	vst v0  }
0x36: {  	_ =	swait.ge [sflag:s31], $0x6400  }
0x37: {  	[sflag:s31] =	ssyncset.done $0x0  }
0x38: {  	[sflag:s31] =	ssyncadd.s32 $0xFFFF9C00  }
0x39: {  	_ =	swait.ge [sflag:s31], $0x500  }
0x3a: {  	v1 =	vlaneseq.u32;
	[sflag:s31] =	ssyncset.done $0x0  }
0x3b: {  	v2 =	vmov s8;
	s8 =	simm.s32 $0x0;
	s5 =	sadd.s32 $0xD800, s5;
	v3 =	vmul.u32 $0x50, v1;
	v4 =	vmul.u32 $0x4, v1;
	[sflag:s31] =	ssyncadd.s32 $0xFFFFFB00  }
.LBB2_1:
0x3c: {  	s9 =	smul.u32 $0x500, s8;
	_ =	sdelay $0x1  }
0x3d: {  	s31 =	simm.s32 $0x0;
	v5 =	vadd.s32 s9, v3  }
0x3e: {  	v6 =	vadd.s32 s31, v5  }
0x3f: {  	s16 =	simm.s32 $0x1  }
0x40: {  	v7 =	vadd.s32 s16, v5  }
0x41: {  	s12 =	simm.s32 $0x2  }
0x42: {  	v8 =	vadd.s32 s12, v5  }
0x43: {  	s13 =	simm.s32 $0x3;
	v6 =	vld.idx.msk [tilespmem:v6+s6+$0x0], $0xffff  }
0x44: {  	v9 =	vadd.s32 s13, v5  }
0x45: {  	s14 =	simm.s32 $0x4;
	v10 =	vld.idx.msk [tilespmem:v7+s6+$0x0], $0xffff  }
0x46: {  	s11 =	simm.s32 $0x5;
	v11 =	vadd.s32 s14, v5  }
0x47: {  	v12 =	vimm.f32 $-1.000000020e+30;
	v14 =	vadd.s32 s11, v5;
	v7 =	vld.idx.msk [tilespmem:v8+s6+$0x0], $0xffff  }
0x48: {  	s17 =	simm.s32 $0x6;
	vm0 =	vgt.f32 v6, v12  }
0x49: {  	v8 =	vld.idx.msk [tilespmem:v9+s6+$0x0], $0xffff;
	v6 =	vsel vm0, v6, v12;
	v12 =	vadd.s32 s17, v5  }
0x4a: {  	s10 =	simm.s32 $0x7;
	vm1 =	vgt.f32 v10, v6  }
0x4b: {  	v9 =	vld.idx.msk [tilespmem:v11+s6+$0x0], $0xffff;
	v11 =	vadd.s32 s10, v5;
	v15 =	vsel vm0, s31, v0;
	v13 =	vsel vm1, v10, v6  }
0x4c: {  	s18 =	simm.s32 $0x17;
	s9 =	simm.s32 $0xF;
	v6 =	vsel vm1, s16, v15;
	s16 =	simm.s32 $0x8;
	v10 =	vld.idx.msk [tilespmem:v14+s6+$0x0], $0xffff;
	vm0 =	vgt.f32 v7, v13  }
.LBB2_2:
0x4d: {  	p0 =	sne.s32 s18, $0x4F;
	v14 =	vadd.s32 s16, v5;
	v7 =	vsel vm0, v7, v13;
	v6 =	vsel vm0, s12, v6  }
0x4e: {  	s19 =	sadd.s32 $0xFFFFFFFA, s9;
	vm0 =	vgt.f32 v8, v7;
	v12 =	vld.idx.msk [tilespmem:v12+s6+$0x0], $0xffff  }
0x4f: {  	v13 =	vadd.s32 s19, v5;
	v7 =	vsel vm0, v8, v7;
	v6 =	vsel vm0, s13, v6  }
0x50: {  	s12 =	sadd.s32 $0xFFFFFFFB, s9;
	vm0 =	vgt.f32 v9, v7;
	v8 =	vld.idx.msk [tilespmem:v11+s6+$0x0], $0xffff  }
0x51: {  	v11 =	vadd.s32 s12, v5;
	v7 =	vsel vm0, v9, v7;
	v6 =	vsel vm0, s14, v6  }
0x52: {  	s13 =	sadd.s32 $0xFFFFFFFC, s9;
	v9 =	vld.idx.msk [tilespmem:v14+s6+$0x0], $0xffff;
	vm0 =	vgt.f32 v10, v7  }
0x53: {  	v14 =	vadd.s32 s13, v5;
	v7 =	vsel vm0, v10, v7;
	v6 =	vsel vm0, s11, v6  }
0x54: {  	s14 =	sadd.s32 $0xFFFFFFFD, s9;
	v10 =	vld.idx.msk [tilespmem:v13+s6+$0x0], $0xffff;
	vm0 =	vgt.f32 v12, v7  }
0x55: {  	v13 =	vadd.s32 s14, v5;
	v12 =	vsel vm0, v12, v7;
	v6 =	vsel vm0, s17, v6  }
0x56: {  	s11 =	sadd.s32 $0xFFFFFFFE, s9;
	v7 =	vld.idx.msk [tilespmem:v11+s6+$0x0], $0xffff;
	vm0 =	vgt.f32 v8, v12  }
0x57: {  	v15 =	vadd.s32 s11, v5;
	v11 =	vsel vm0, v8, v12;
	v6 =	vsel vm0, s10, v6;
	s10 =	smov.u32 s9;
	s9 =	smov.u32 s18  }
.Ltmp0:
0x58: {  	vm0 =	vgt.f32 v9, v11;
	v8 =	vld.idx.msk [tilespmem:v14+s6+$0x0], $0xffff;
	s17 =	sadd.s32 $0xFFFFFFFF, s10;
	(pc) =	sbr.rel @p0 .LBB2_2-.Ltmp0, $4  }
0x59: {  	v11 =	vsel vm0, v9, v11;
	v6 =	vsel vm0, s16, v6;
	v12 =	vadd.s32 s17, v5  }
0x5a: {  	vm0 =	vgt.f32 v10, v11;
	v9 =	vld.idx.msk [tilespmem:v13+s6+$0x0], $0xffff  }
0x5b: {  	v13 =	vsel vm0, v10, v11;
	v6 =	vsel vm0, s19, v6;
	v11 =	vadd.s32 s10, v5  }
0x5c: {  	s18 =	sadd.s32 $0x8, s18;
	s16 =	sadd.s32 $0xFFFFFFF9, s9;
	vm0 =	vgt.f32 v7, v13;
	v10 =	vld.idx.msk [tilespmem:v15+s6+$0x0], $0xffff  }
0x5d: {  	_ =	sdelay $0x1  }
0x5e: {  	v7 =	vsel vm0, v7, v13  }
0x5f: {  	v50 =	vadd.s32 s16, v5;
	vm1 =	vgt.f32 v8, v7  }
0x60: {  	s19 =	sadd.s32 $0xFFFFFFFA, s9;
	v12 =	vld.idx.msk [tilespmem:v12+s6+$0x0], $0xffff;
	v7 =	vsel vm1, v8, v7  }
0x61: {  	v51 =	vadd.s32 s19, v5;
	vm2 =	vgt.f32 v9, v7  }
0x62: {  	s20 =	sadd.s32 $0xFFFFFFFB, s9;
	v11 =	vld.idx.msk [tilespmem:v11+s6+$0x0], $0xffff;
	v7 =	vsel vm2, v9, v7  }
0x63: {  	s21 =	sadd.s32 $0xFFFFFFFC, s9;
	v52 =	vadd.s32 s20, v5;
	vm3 =	vgt.f32 v10, v7  }
0x64: {  	s22 =	sadd.s32 $0xFFFFFFFD, s9;
	s18 =	sshll.u32 s8, $0x4;
	v53 =	vadd.s32 s21, v5;
	v13 =	vld.idx.msk [tilespmem:v50+s6+$0x0], $0xffff;
	v7 =	vsel vm3, v10, v7  }
0x65: {  	s23 =	sadd.s32 $0xFFFFFFFE, s9;
	v14 =	vadd.s32 s22, v5;
	v15 =	vmov s18;
	vm4 =	vgt.f32 v12, v7  }
0x66: {  	v54 =	vadd.s32 s23, v5;
	v15 =	vshll.u32 v15, $0x2;
	v8 =	vld.idx.msk [tilespmem:v51+s6+$0x0], $0xffff;
	v7 =	vsel vm4, v12, v7  }
0x67: {  	v56 =	vor.u32 v4, v15;
	vm5 =	vgt.f32 v11, v7  }
0x68: {  	v15 =	vor.u32 $0x1, v56;
	v9 =	vld.idx.msk [tilespmem:v52+s6+$0x0], $0xffff;
	v7 =	vsel vm5, v11, v7  }
0x69: {  	v58 =	vor.u32 $0x2, v56;
	v10 =	vld.idx.msk [tilespmem:v53+s6+$0x0], $0xffff;
	vm6 =	vgt.f32 v13, v7  }
0x6a: {  	s24 =	sadd.s32 $0xFFFFFFFF, s9;
	v16 =	vor.u32 $0x3, v56;
	v14 =	vld.idx.msk [tilespmem:v14+s6+$0x0], $0xffff;
	v7 =	vsel vm6, v13, v7  }
0x6b: {  	v55 =	vadd.s32 s24, v5;
	v57 =	vld.idx.msk [tilespmem:v54+s6+$0x0], $0xffff;
	vm7 =	vgt.f32 v8, v7  }
0x6c: {  	v59 =	vld.idx.msk [tilespmem:v56+s7+$0x0], $0xffff;
	v7 =	vsel vm7, v8, v7  }
0x6d: {  	v6 =	vsel vm0, s12, v6;
	v5 =	vadd.s32 s9, v5;
	v60 =	vld.idx.msk [tilespmem:v15+s7+$0x0], $0xffff;
	vm8 =	vgt.f32 v9, v7  }
0x6e: {  	v6 =	vsel vm1, s13, v6;
	v12 =	vld.idx.msk [tilespmem:v58+s7+$0x0], $0xffff;
	v7 =	vsel vm8, v9, v7  }
0x6f: {  	v6 =	vsel vm2, s14, v6;
	v61 =	vld.idx.msk [tilespmem:v16+s7+$0x0], $0xffff;
	vm9 =	vgt.f32 v10, v7  }
0x70: {  	v6 =	vsel vm3, s11, v6;
	v11 =	vld.idx.msk [tilespmem:v55+s6+$0x0], $0xffff;
	v7 =	vsel vm9, v10, v7  }
0x71: {  	v6 =	vsel vm4, s17, v6;
	vm10 =	vgt.f32 v14, v7  }
0x72: {  	v5 =	vld.idx.msk [tilespmem:v5+s6+$0x0], $0xffff;
	v6 =	vsel vm5, s10, v6;
	v7 =	vsel vm10, v14, v7  }
0x73: {  	v6 =	vsel vm6, s16, v6;
	vm11 =	vgt.f32 v57, v7  }
0x74: {  	v6 =	vsel vm7, s19, v6;
	v62 =	vsub.f32 v12, v59;
	v7 =	vsel vm11, v57, v7  }
0x75: {  	v63 =	vsub.f32 v61, v60;
	v6 =	vsel vm8, s20, v6;
	vm12 =	vgt.f32 v11, v7  }
0x76: {  	s8 =	sadd.s32 $0x1, s8;
	[tilespmem:s18+$0x6900] =	vst v59;
	v6 =	vsel vm9, s21, v6;
	v7 =	vsel vm12, v11, v7  }
0x77: {  	s31 =	sadd.s32 s3, s18;
	p0 =	sne.s32 s8, $0x14;
	[tilespmem:s18+$0x6A80] =	vst v60;
	v8 =	vmul.f32 v63, v62;
	v6 =	vsel vm10, s22, v6;
	vm13 =	vgt.f32 v5, v7  }
.Ltmp1:
0x78: {  	[tilespmem:s18+$0x6C00] =	vst v12;
	v6 =	vsel vm11, s23, v6;
	v5 =	vsel vm13, v5, v7;
	v7 =	vadd.s32 s31, v1;
	(pc) =	sbr.rel @p0 .LBB2_1-.Ltmp1, $4  }
0x79: {  	[tilespmem:s18+$0x6D80] =	vst v61;
	v6 =	vsel vm12, s24, v6;
	vm14 =	vge.u32 v7, v2;
	vm15 =	vgt.f32 v5, $2.000000030e-01  }
0x7a: {  	[tilespmem:s18+$0x6F00] =	vst v8;
	v6 =	vsel vm13, s9, v6;
	vm2 =	vmand vm14, vm15  }
0x7b: {  	[tilespmem:s18+$0x7200] =	vst v6;
	v5 =	vnsel vm2, $0xF149F2CA, v5  }
0x7c: {  	[tilespmem:s18+$0x7080] =	vst v5  }
0x7d: {  	vm0 =	vmmov $0x1;
	v1 =	vimm.s32 $0x0  }
0x7e: {  	v1 =	vsel vm0, $0xFFFFFFFF, v1  }
0x7f: {  	vm0 =	vmmov $0x3;
	[tilespmem:$0x1FF60] =	vst v1;
	v1 =	vimm.s32 $0x0  }
0x80: {  	v1 =	vsel vm0, $0xFFFFFFFF, v1  }
0x81: {  	vm0 =	vmmov $0x7;
	[tilespmem:$0x1FF70] =	vst v1;
	v1 =	vimm.s32 $0x0  }
0x82: {  	v1 =	vsel vm0, $0xFFFFFFFF, v1  }
0x83: {  	vm0 =	vmmov $0xf;
	[tilespmem:$0x1FF80] =	vst v1;
	v1 =	vimm.s32 $0x0  }
0x84: {  	v1 =	vsel vm0, $0xFFFFFFFF, v1  }
0x85: {  	vm0 =	vmmov $0x1f;
	[tilespmem:$0x1FF90] =	vst v1;
	v1 =	vimm.s32 $0x0  }
0x86: {  	v1 =	vsel vm0, $0xFFFFFFFF, v1  }
0x87: {  	vm0 =	vmmov $0x3f;
	[tilespmem:$0x1FFA0] =	vst v1;
	v1 =	vimm.s32 $0x0  }
0x88: {  	v1 =	vsel vm0, $0xFFFFFFFF, v1  }
0x89: {  	vm0 =	vmmov $0x7f;
	[tilespmem:$0x1FFB0] =	vst v1;
	v1 =	vimm.s32 $0x0  }
0x8a: {  	v1 =	vsel vm0, $0xFFFFFFFF, v1  }
0x8b: {  	vm0 =	vmmov $0xff;
	[tilespmem:$0x1FFC0] =	vst v1;
	v1 =	vimm.s32 $0x0  }
0x8c: {  	v1 =	vsel vm0, $0xFFFFFFFF, v1  }
0x8d: {  	vm0 =	vmmov $0x1ff;
	[tilespmem:$0x1FFD0] =	vst v1;
	v1 =	vimm.s32 $0x0  }
0x8e: {  	v0 =	vlaneseq.u32;
	v1 =	vsel vm0, $0xFFFFFFFF, v1  }
0x8f: {  	vm10 =	vmmov $0x7ff;
	vm0 =	vmmov $0x3ff;
	[tilespmem:$0x1FFE0] =	vst v1;
	v1 =	vimm.s32 $0x0  }
0x90: {  	vm11 =	vmmov $0xfff;
	vm12 =	vmmov $0x1fff;
	v1 =	vsel vm0, $0xFFFFFFFF, v1  }
0x91: {  	vm13 =	vmmov $0x3fff;
	vm14 =	vmmov $0x7fff;
	p0 =	sne.s32 s15, $0x0;
	[tilespmem:$0x1FFF0] =	vst v1;
	v1 =	vmul.u32 $0x10, v0  }
0x92: {  	v15 =	vimm.s32 $0x0;
	vm15 =	vmxor vm15, vm15;
	vm1 =	vcmask @!p0 $0x710  }
.Ltmp2:
0x93: {  	s6 =	sshll.u32 s15, $0x10;
	vm2 =	vcmask @!p0 $0xB10;
	vm0 =	vcmask @!p0 $0x310;
	v2 =	vor.u32 $0x1, v1;
	(pc) =	sbr.rel .LBB2_5-.Ltmp2, $4  }
0x94: {  	s14 =	sshll.u32 s15, $0x6;
	s9 =	simm.s32 $0x0;
	s7 =	simm.s32 $0x6900;
	v3 =	vor.u32 $0x2, v1;
	v4 =	vor.u32 $0x3, v1;
	v5 =	vor.u32 $0x4, v1  }
0x95: {  	s8 =	simm.s32 $0x6A80;
	s10 =	simm.s32 $0x6C00;
	s11 =	simm.s32 $0x6D80;
	v6 =	vor.u32 $0x5, v1;
	v7 =	vor.u32 $0x7, v1;
	v8 =	vor.u32 $0x8, v1  }
0x96: {  	s12 =	simm.s32 $0x6F00;
	s13 =	simm.s32 $0x7200;
	s15 =	simm.s32 $0x7380;
	v9 =	vor.u32 $0x9, v1;
	v10 =	vor.u32 $0xA, v1;
	v11 =	vor.u32 $0xB, v1  }
0x97: {  	s16 =	simm.s32 $0x2;
	s17 =	simm.s32 $0x7400;
	s14 =	sshrl.u32 s14, $0x2;
	v12 =	vor.u32 $0xC, v1;
	v13 =	vor.u32 $0xD, v1;
	v14 =	vor.u32 $0xF, v1  }
.LBB2_12:
0x98: {  	p1 =	sle.s32 s18, s9  }
0x99: {  	p2 =	slt.s32 @!p1 s18, $0x64  }
0x9a: {  	p1 =	por p1, !p2  }
.Ltmp3:
0x9b: {  	_ = 	snop;
	(pc) =	sbr.rel @p1 .LBB2_13-.Ltmp3, $2  }
0x9c: {  	_ =	sdelay $0x2  }
0x9d: {  	s9 =	smov.u32 s18  }
.LBB2_5:
0x9e: {  	s20 =	simm.s32 $0x7090  }
0x9f: {  	v17 =	vld [tilespmem:s20+$0xFFFFFFF0];
	_ =	sdelay $0x3  }
0xa0: {  	v23 =	vimm.f32 $-1.000000020e+30;
	v18 =	vld [tilespmem:s20+$0x0]  }
0xa1: {  	v16 =	vimm.s32 $0x40000000;
	vm4 =	vgt.f32 v17, v23  }
0xa2: {  	s18 =	simm.s32 $0x0;
	v22 =	vimm.f32 $-1.000000020e+30;
	v21 =	vimm.s32 $0x40000000;
	vm3 =	vmneg vm4  }
0xa3: {  	s19 =	simm.s32 $0x30;
	v20 =	vor.u32 s18, v0;
	s18 =	simm.s32 $0x10;
	s20 =	simm.s32 $0x70B0;
	vm4 =	vmand vm4, vm3;
	v19 =	vsel vm3, v23, v17  }
.LBB2_6:
0xa4: {  	p1 =	sne.s32 s19, $0x130;
	v23 =	vsel vm4, v17, v23;
	v17 =	vld [tilespmem:s20+$0xFFFFFFF0];
	v24 =	vor.u32 s18, v0;
	s18 =	smov.u32 s19;
	s19 =	sadd.s32 $0x20, s19  }
0xa5: {  	v25 =	vsel vm3, v16, v20;
	v23 =	vsel vm3, v23, v22;
	vm5 =	vgt.f32 v18, v19  }
0xa6: {  	v20 =	vsel vm4, v20, v21;
	vm4 =	vmneg vm5;
	vm5 =	vgt.f32 v18, v23  }
.Ltmp4:
0xa7: {  	v16 =	vsel vm3, v20, v16;
	vm3 =	vmand vm4, vm5;
	v22 =	vsel vm4, v19, v18;
	(pc) =	sbr.rel @p1 .LBB2_6-.Ltmp4, $4  }
0xa8: {  	v20 =	vsel vm3, v18, v23;
	v18 =	vld [tilespmem:s20+$0x0];
	v21 =	vsel vm3, v24, v16;
	v16 =	vsel vm4, v25, v24  }
0xa9: {  	s21 =	sadd.s32 $0xFFFFFFF0, s18;
	vm3 =	vgt.f32 v17, v22;
	v23 =	vsel vm4, v20, v19;
	v21 =	vsel vm4, v21, v25  }
0xaa: {  	v20 =	vor.u32 s21, v0;
	vm3 =	vmneg vm3;
	vm4 =	vgt.f32 v17, v23  }
0xab: {  	s20 =	sadd.s32 $0x20, s20;
	vm4 =	vmand vm4, vm3;
	v19 =	vsel vm3, v22, v17  }
0xac: {  	_ = 	snop  }
0xad: {  	vm5 =	vgt.f32 v18, v19  }
0xae: {  	vm5 =	vmneg vm5  }
0xaf: {  	v24 =	vsel vm5, v19, v18  }
0xb0: {  	(xrf0) =	vmax.scan.msk.f32 $0xffff, v24;
	_ =	sdelay $0x5  }
0xb1: {  	v25, _, _ =	vpop (xrf0)  }
0xb2: {  	v26 =	vor.u32 s18, v0;
	v27 =	vsel vm3, v16, v20;
	v25 =	vbroadcast v25, $0xF  }
0xb3: {  	v28 =	vsel vm5, v27, v26  }
0xb4: {  	v29 =	vxor.u32 $0x80000000, v28;
	vm6 =	veq.f32 v24, v25  }
0xb5: {  	v29 =	vnsel vm6, $0xC0000000, v29  }
0xb6: {  	(xrf0) =	vmin.scan.msk.u32 $0xffff, v29;
	_ =	sdelay $0x5  }
0xb7: {  	v29, _, _ =	vpop (xrf0)  }
0xb8: {  	(v2sf) =	vpush v29, $0xF;
	_ =	sdelay $0xc  }
0xb9: {  	v17 =	vsel vm4, v17, v23  }
0xba: {  	v17 =	vsel vm3, v17, v22  }
0xbb: {  	vm7 =	vgt.f32 v18, v17;
	s28 =	spop (v2sf)  }
0xbc: {  	vm7 =	vmand vm5, vm7;
	s18 =	sxor.u32 $0x80000000, s28  }
0xbd: {  	v17 =	vsel vm7, v18, v17;
	vm8 =	veq.s32 v28, s18  }
0xbe: {  	v17 =	vsel vm5, v17, v19;
	vm6 =	vmand vm6, vm8  }
0xbf: {  	v17 =	vsel vm6, v17, v24  }
0xc0: {  	(xrf0) =	vmax.scan.msk.f32 $0xffff, v17;
	_ =	sdelay $0x2  }
0xc1: {  	v18 =	vsel vm4, v20, v21;
	_ =	sdelay $0x1  }
0xc2: {  	v16 =	vsel vm3, v18, v16  }
0xc3: {  	v16 =	vsel vm7, v26, v16;
	v18, _, _ =	vpop (xrf0)  }
0xc4: {  	v16 =	vsel vm5, v16, v27;
	v18 =	vbroadcast v18, $0xF  }
0xc5: {  	v16 =	vsel vm6, v16, v28  }
0xc6: {  	v16 =	vxor.u32 $0x80000000, v16;
	vm3 =	veq.f32 v17, v18  }
0xc7: {  	v16 =	vnsel vm3, $0xC0000000, v16  }
0xc8: {  	(xrf0) =	vmin.scan.msk.u32 $0xffff, v16;
	_ =	sdelay $0x3  }
0xc9: {  	p1 =	sgt.s32 s18, $0x0  }
0xca: {  	s18 =	simm.s32 @!p1 $0x0  }
0xcb: {  	s18 =	smin.u32 s18, $0x13F;
	v16, _, _ =	vpop (xrf0)  }
0xcc: {  	v26 =	vld [tilespmem:$0x1FF60];
	(v2sf) =	vpush v16, $0xF;
	v16 =	vmov s18  }
0xcd: {  	v16 =	vbroadcast v16, $0x0  }
0xce: {  	s18 =	sor.u32 s6, s18  }
0xcf: {  	v21 =	vmov s18  }
0xd0: {  	v21 =	vbroadcast v21, $0x0  }
0xd1: {  	vm3 =	vnez.u8 v26  }
0xd2: {  	v21 =	vsel vm3, v25, v21;
	v25 =	vld [tilespmem:$0x1FF70]  }
0xd3: {  	v17 =	vld.idx.msk [tilespmem:v16+s7+$0x0], $0xffff;
	_ =	sdelay $0x3  }
0xd4: {  	vm3 =	vnez.u8 v25  }
0xd5: {  	v17 =	vsel vm3, v21, v17;
	v21 =	vld [tilespmem:$0x1FF80]  }
0xd6: {  	v20 =	vld.idx.msk [tilespmem:v16+s8+$0x0], $0xffff;
	_ =	sdelay $0x3  }
0xd7: {  	v22 =	vld.idx.msk [tilespmem:v16+s10+$0x0], $0xffff;
	vm3 =	vnez.u8 v21  }
0xd8: {  	v17 =	vsel vm3, v17, v20;
	v20 =	vld [tilespmem:$0x1FF90]  }
0xd9: {  	v21 =	vld [tilespmem:$0x1FFA0]  }
0xda: {  	v23 =	vld.idx.msk [tilespmem:v16+s11+$0x0], $0xffff;
	_ =	sdelay $0x2  }
0xdb: {  	vm3 =	vnez.u8 v20  }
0xdc: {  	v17 =	vsel vm3, v17, v22;
	vm3 =	vnez.u8 v21  }
0xdd: {  	v17 =	vsel vm3, v17, v23;
	v23 =	vld [tilespmem:$0x1FFB0]  }
0xde: {  	v24 =	vld.idx.msk [tilespmem:v16+s13+$0x0], $0xffff;
	_ =	sdelay $0x3  }
0xdf: {  	s19 =	spop (v2sf);
	vm3 =	vnez.u8 v23  }
0xe0: {  	s19 =	sxor.u32 $0x80000000, s19;
	v17 =	vsel vm3, v17, v24;
	v24 =	vld [tilespmem:$0x1FFC0]  }
0xe1: {  	p1 =	sgt.s32 s19, $0x0  }
0xe2: {  	s19 =	simm.s32 @!p1 $0x0  }
0xe3: {  	s19 =	smin.u32 s19, $0x13F  }
0xe4: {  	v16 =	vld.idx.msk [tilespmem:v16+s12+$0x0], $0xffff;
	v19 =	vmov s19  }
0xe5: {  	v19 =	vbroadcast v19, $0x0;
	vm3 =	vnez.u8 v24;
	v24 =	vld [tilespmem:$0x1FFD0];
	_ =	sdelay $0x4  }
0xe6: {  	v16 =	vsel vm3, v17, v16;
	vm3 =	vnez.u8 v24;
	v24 =	vld [tilespmem:$0x1FFE0]  }
0xe7: {  	v20 =	vld.idx.msk [tilespmem:v19+s7+$0x0], $0xffff  }
0xe8: {  	s29 =	sor.u32 s6, s19;
	v21 =	vld.idx.msk [tilespmem:v19+s8+$0x0], $0xffff  }
0xe9: {  	v22 =	vmov s29;
	v23 =	vld.idx.msk [tilespmem:v19+s10+$0x0], $0xffff  }
0xea: {  	v17 =	vbroadcast v22, $0x0;
	v22 =	vld.idx.msk [tilespmem:v19+s11+$0x0], $0xffff  }
0xeb: {  	v16 =	vsel vm3, v16, v18;
	v18 =	vld.idx.msk [tilespmem:v19+s13+$0x0], $0xffff;
	vm3 =	vnez.u8 v24  }
0xec: {  	v16 =	vsel vm3, v16, v17;
	v17 =	vld.idx.msk [tilespmem:v19+s12+$0x0], $0xffff  }
0xed: {  	v19 =	vld [tilespmem:$0x1FFF0];
	_ =	sdelay $0x4  }
0xee: {  	vm3 =	vnez.u8 v19  }
0xef: {  	v16 =	vsel vm3, v16, v20  }
0xf0: {  	v16 =	vsel vm10, v16, v21  }
0xf1: {  	v16 =	vsel vm11, v16, v23  }
0xf2: {  	s30 =	sshll.u32 s9, $0x8;
	v16 =	vsel vm12, v16, v22  }
0xf3: {  	s18 =	sand.u32 $0x100, s30;
	v16 =	vsel vm13, v16, v18  }
0xf4: {  	s18 =	sadd.s32 s18, s4;
	v16 =	vsel vm14, v16, v17  }
0xf5: {  	s31 =	sadd.s32 s14, s18;
	[tilespmem:$0x7380] =	vst v16  }
0xf6: {  	[spmem:s31] =	stream.linear.scatter [tilespmem:s15], [sflag:$0x2], $0x10, $0x38;
	[tilespmem:$0x7820] =	vst v63  }
0xf7: {  	_ =	swait.ge [sflag:s16], $0x10  }
0xf8: {  	[sflag:s16] =	ssyncset.done $0x0  }
0xf9: {  	[sflag:s16] =	ssyncadd.s32 $0xFFFFFFF0  }
0xfa: {  	[bflag:$0x0] =	sbarrier.arrive $0xFFFF  }
0xfb: {  	[tilespmem:s17], [sflag:$0x2] =	stream.linear.gather [spmem:s18], $0x100, $0x38;
	[tilespmem:$0x7820] =	vst v63  }
0xfc: {  	_ =	swait.ge [sflag:s16], $0x100  }
0xfd: {  	[sflag:s16] =	ssyncset.done $0x0  }
0xfe: {  	[sflag:s16] =	ssyncadd.s32 $0xFFFFFF00  }
0xff: {  	v16 =	vld.idx.msk [tilespmem:v1+s17+$0x0], $0xffff  }
0x100: {  	v17 =	vld.idx.msk [tilespmem:v2+s17+$0x0], $0xffff  }
0x101: {  	v18 =	vld.idx.msk [tilespmem:v3+s17+$0x0], $0xffff  }
0x102: {  	v19 =	vld.idx.msk [tilespmem:v4+s17+$0x0], $0xffff  }
0x103: {  	v20 =	vld.idx.msk [tilespmem:v5+s17+$0x0], $0xffff  }
0x104: {  	v21 =	vld.idx.msk [tilespmem:v6+s17+$0x0], $0xffff  }
0x105: {  	v22 =	vld.idx.msk [tilespmem:v7+s17+$0x0], $0xffff  }
0x106: {  	v23 =	vld.idx.msk [tilespmem:v8+s17+$0x0], $0xffff  }
0x107: {  	v24 =	vld.idx.msk [tilespmem:v9+s17+$0x0], $0xffff  }
0x108: {  	v25 =	vld.idx.msk [tilespmem:v10+s17+$0x0], $0xffff  }
0x109: {  	v26 =	vld.idx.msk [tilespmem:v11+s17+$0x0], $0xffff  }
0x10a: {  	v27 =	vld.idx.msk [tilespmem:v12+s17+$0x0], $0xffff  }
0x10b: {  	v28 =	vld.idx.msk [tilespmem:v13+s17+$0x0], $0xffff;
	vm3 =	vgt.f32 v16, $-1.000000020e+29;
	vm4 =	vgt.f32 v23, $-1.000000020e+29  }
0x10c: {  	s18 =	smov.u32 s9;
	v29 =	vld.idx.msk [tilespmem:v14+s17+$0x0], $0xffff;
	vm3 =	vmneg vm3;
	vm4 =	vmneg vm4  }
.LBB2_8:
0x10d: {  	v30 =	vsel vm3, $0xF149F2CA, v16;
	v31 =	vsel vm4, $0xF149F2CA, v23  }
0x10e: {  	v30 =	vmax.f32 v30, v31  }
0x10f: {  	(xrf0) =	vmax.scan.msk.f32 $0xffff, v30;
	_ =	sdelay $0x5  }
0x110: {  	v31, _, _ =	vpop (xrf0)  }
0x111: {  	v30 =	vbroadcast v31, $0xF  }
0x112: {  	vm5 =	vmneg vm3  }
0x113: {  	vm7 =	vmneg vm4;
	vm6 =	veq.f32 v16, v30;
	vm8 =	veq.f32 v23, v30  }
0x114: {  	vm5 =	vmand vm6, vm5;
	vm6 =	vmand vm8, vm7  }
0x115: {  	v32 =	vnsel vm5, $0x40000000, v17;
	v33 =	vnsel vm6, $0x40000000, v24  }
0x116: {  	vm7 =	vlt.s32 v32, v33  }
0x117: {  	v32 =	vsel vm7, v32, v33  }
0x118: {  	v32 =	vxor.u32 $0x80000000, v32  }
0x119: {  	(xrf0) =	vmin.scan.msk.u32 $0xffff, v32;
	_ =	sdelay $0x5  }
0x11a: {  	(v2sf) =	vpush v31, $0xF;
	v31, _, _ =	vpop (xrf0)  }
0x11b: {  	(v2sf) =	vpush v31, $0xF;
	_ =	sdelay $0xd  }
0x11c: {  	s19 =	spop (v2sf)  }
0x11d: {  	s20 =	spop (v2sf)  }
0x11e: {  	s21 =	sxor.u32 $0x80000000, s20  }
0x11f: {  	v37 =	vmov s21  }
0x120: {  	vm7 =	vgt.s32 v37, v24  }
0x121: {  	vm9 =	vgt.f32 v23, v30;
	vm7 =	vmand vm8, vm7  }
0x122: {  	vm7 =	vmor vm9, vm7  }
0x123: {  	vm7 =	vmand vm4, vm7  }
0x124: {  	vm8 =	veq.s32 v37, v24;
	vm7 =	vmand vm3, vm7  }
0x125: {  	vm6 =	vmand vm6, vm8;
	v31 =	vsel vm7, $0x1, v15  }
0x126: {  	v54 =	vsel vm6, $0x1, v15;
	v31 =	vor.u32 $0x80000000, v31  }
0x127: {  	(xrf0) =	vmax.scan.msk.u32 $0xffff, v31;
	v31 =	vor.u32 $0x80000000, v54  }
0x128: {  	(xrf0) =	vmax.scan.msk.u32 $0xffff, v31;
	_ =	sdelay $0x4  }
0x129: {  	v31, _, _ =	vpop (xrf0)  }
0x12a: {  	(v2sf) =	vpush v31, $0xF;
	v31, _, _ =	vpop (xrf0)  }
0x12b: {  	(v2sf) =	vpush v31, $0xF;
	_ =	sdelay $0xc  }
0x12c: {  	s21 =	sshra.s32 s21, $0x10  }
0x12d: {  	p1 =	sgt.s32 s21, $0x0;
	s22 =	spop (v2sf)  }
0x12e: {  	s21 =	simm.s32 @!p1 $0x0;
	s23 =	spop (v2sf)  }
0x12f: {  	s21 =	smin.u32 s21, $0xF;
	p1 =	sgt.u32 s23, $0x80000000;
	s23 =	simm.s32 $0x8  }
0x130: {  	s24 =	sshll.u32 s21, $0x4;
	s23 =	simm.s32 @!p1 $0x0  }
0x131: {  	s23 =	sor.u32 s24, s23  }
0x132: {  	v35 =	vmov s23  }
0x133: {  	v31 =	vor.u32 $0x2, v35  }
0x134: {  	v55 =	vor.u32 $0x4, v35  }
0x135: {  	v34 =	vor.u32 $0x3, v35  }
0x136: {  	v36 =	vor.u32 $0x5, v35;
	_ =	sdelay $0x1  }
0x137: {  	v33 =	vld.idx.msk [tilespmem:v31+s17+$0x0], $0xffff  }
0x138: {  	v31 =	vld.idx.msk [tilespmem:v55+s17+$0x0], $0xffff  }
0x139: {  	v56 =	vor.u32 $0x7, v35;
	v34 =	vld.idx.msk [tilespmem:v34+s17+$0x0], $0xffff  }
0x13a: {  	v32 =	vld.idx.msk [tilespmem:v36+s17+$0x0], $0xffff;
	_ =	sdelay $0x3  }
0x13b: {  	v36 =	vld.idx.msk [tilespmem:v56+s17+$0x0], $0xffff;
	v38 =	vmax.f32 v18, v33  }
0x13c: {  	v39 =	vmin.f32 v20, v31;
	v57 =	vmax.f32 v19, v34;
	v40 =	vmin.f32 v21, v32  }
0x13d: {  	v58 =	vmax.f32 v25, v33;
	v41 =	vmax.f32 v26, v34;
	v42 =	vmin.f32 v27, v31  }
0x13e: {  	v43 =	vmin.f32 v28, v32;
	v38 =	vsub.f32 v39, v38;
	v39 =	vsub.f32 v40, v57  }
0x13f: {  	v40 =	vsub.f32 v42, v58;
	v41 =	vsub.f32 v43, v41  }
0x140: {  	v59 =	vadd.f32 v36, v22;
	v38 =	vmax.f32 v38, $0.0e+00;
	v39 =	vmax.f32 v39, $0.0e+00  }
0x141: {  	v60 =	vmax.f32 v40, $0.0e+00;
	v61 =	vmax.f32 v41, $0.0e+00;
	v39 =	vmul.f32 v39, v38  }
0x142: {  	v62 =	vadd.f32 v36, v29;
	v38 =	vmul.f32 v61, v60  }
0x143: {  	v63 =	vsub.f32 v59, v39  }
0x144: {  	v40 =	vsub.f32 v62, v38  }
0x145: {  	v41 =	vadd.f32 $9.999999930e-09, v63  }
0x146: {  	v40 =	vadd.f32 $9.999999930e-09, v40  }
0x147: {  	p5 =	sgt.f32 s19, $-1.000000020e+29;
	(erf) = vrcp.f32 v41  }
0x148: {  	p2 =	slt.u32 s22, $0x80000001;
	(erf) = vrcp.f32 v40  }
0x149: {  	p1 =	por !p5, !p2  }
0x14a: {  	p6 =	slt.s32 s18, $0x64;
	p1 =	por !p1, !p1  }
0x14b: {  	p1 =	por !p6, !p1  }
0x14c: {  	v35 =	vor.u32 $0x6, v35;
	p1 =	por !p1, !p1  }
.Ltmp5:
0x14d: {  	_ = 	snop;
	(pc) =	sbr.rel @!p1 .LBB2_12-.Ltmp5, $3  }
0x14e: {  	_ =	sdelay $0x1  }
0x14f: {  	v41 =	vpop (erf)  }
0x150: {  	v35 =	vld.idx.msk [tilespmem:v35+s17+$0x0], $0xffff;
	v40 =	vpop (erf)  }
0x151: {  	s19 =	simm.s32 $0x0  }
0x152: {  	v42 =	vld [tilespmem:s19+$0x6D90]  }
0x153: {  	v43 =	vld [tilespmem:s19+$0x6C10]  }
0x154: {  	v44 =	vld [tilespmem:s19+$0x6A90]  }
0x155: {  	v45 =	vld [tilespmem:s19+$0x6910]  }
0x156: {  	v46 =	vld [tilespmem:s19+$0x6920]  }
0x157: {  	v53 =	vmul.f32 v41, v39;
	v39 =	vld [tilespmem:s19+$0x6D80]  }
0x158: {  	vm7 =	veq.s32 v37, v17;
	vm8 =	vmmov vm15;
	v60 =	vmul.f32 v40, v38;
	s21 =	smul.u32 $0x140, s21;
	v54 =	vld [tilespmem:s19+$0x6C00]  }
0x159: {  	s28 =	sadd.s32 $0x10, s3;
	vm5 =	vmand vm5, vm7;
	vm8 =	vmneg @p1 vm8;
	v62 =	vld [tilespmem:s19+$0x6F10];
	vm7 =	vge.f32 v53, $2.000000030e-01  }
0x15a: {  	s20 =	sand.u32 $0xFFFF, s20;
	s29 =	sadd.s32 $0x20, s3;
	v63 =	vld [tilespmem:s19+$0x6DA0];
	v49 =	vadd.s32 s28, v0;
	s21 =	smin.u32 s21, $0x1248;
	vm5 =	vmor vm5, vm7;
	vm7 =	vge.f32 v60, $2.000000030e-01  }
0x15b: {  	v47 =	vld [tilespmem:s19+$0x6900];
	v50 =	vadd.s32 s29, v0;
	s20 =	sadd.s32 s20, s21;
	vm5 =	vmand vm8, vm5;
	vm6 =	vmor vm6, vm7  }
0x15c: {  	v55 =	vld [tilespmem:s19+$0x6AA0];
	v37 =	vmov s20;
	vm6 =	vmand vm8, vm6;
	v61 =	vmax.f32 v44, v34  }
0x15d: {  	v56 =	vld [tilespmem:s19+$0x6C20];
	v45 =	vmax.f32 v45, v33;
	v43 =	vmin.f32 v43, v31;
	v42 =	vmin.f32 v42, v32  }
0x15e: {  	v58 =	vld [tilespmem:s19+$0x6930];
	vm3 =	vmor vm3, vm5;
	v43 =	vsub.f32 v43, v45;
	v38 =	vsub.f32 v42, v61  }
0x15f: {  	v60 =	vld [tilespmem:s19+$0x6F20];
	v59 =	vadd.f32 v62, v36;
	vm4 =	vmor vm4, vm6;
	v41 =	vmin.f32 v54, v31  }
0x160: {  	v51 =	vld [tilespmem:s19+$0x6AB0];
	v46 =	vmax.f32 v46, v33;
	v57 =	vmax.f32 v43, $0.0e+00;
	v38 =	vmax.f32 v38, $0.0e+00  }
0x161: {  	v52 =	vld [tilespmem:s19+$0x6C30];
	v44 =	vmin.f32 v63, v32;
	v42 =	vmax.f32 v55, v34;
	v48 =	vmul.f32 v38, v57  }
0x162: {  	v53 =	vld [tilespmem:s19+$0x6DB0];
	v47 =	vmax.f32 v47, v33;
	v45 =	vmin.f32 v56, v31;
	v42 =	vsub.f32 v44, v42  }
0x163: {  	v54 =	vld [tilespmem:s19+$0x6A80];
	v39 =	vmin.f32 v39, v32;
	v61 =	vsub.f32 v45, v46;
	v38 =	vsub.f32 v59, v48  }
0x164: {  	v63 =	vld [tilespmem:s19+$0x6F30];
	vm6 =	veq.s32 v49, v37;
	v41 =	vsub.f32 v41, v47;
	v40 =	vadd.f32 v60, v36  }
0x165: {  	s20 =	simm.s32 $0x40;
	v62 =	vmax.f32 v61, $0.0e+00;
	v42 =	vmax.f32 v42, $0.0e+00;
	v38 =	vadd.f32 $9.999999930e-09, v38  }
0x166: {  	v55 =	vld [tilespmem:s20+$0x6A90];
	v43 =	vmax.f32 v58, v33;
	v58 =	vmax.f32 v51, v34;
	v42 =	vmul.f32 v42, v62  }
0x167: {  	v47 =	vld [tilespmem:s19+$0x7090];
	v41 =	vmax.f32 v41, $0.0e+00;
	v57 =	vmin.f32 v52, v31;
	(erf) = vrcp.f32 v38  }
0x168: {  	v45 =	vld [tilespmem:s19+$0x6F00];
	v43 =	vsub.f32 v57, v43;
	v59 =	vmin.f32 v53, v32;
	v40 =	vsub.f32 v40, v42  }
0x169: {  	v44 =	vld [tilespmem:s20+$0x6910];
	v60 =	vmax.f32 v54, v34;
	v61 =	vadd.f32 v63, v36;
	v51 =	vsub.f32 v59, v58  }
0x16a: {  	v52 =	vld [tilespmem:s20+$0x6D90];
	v39 =	vsub.f32 v39, v60;
	v60 =	vadd.s32 s3, v0;
	v40 =	vadd.f32 $9.999999930e-09, v40  }
0x16b: {  	v62 =	vld [tilespmem:s20+$0x6900];
	v63 =	vmax.f32 v55, v34;
	v43 =	vmax.f32 v43, $0.0e+00;
	v51 =	vmax.f32 v51, $0.0e+00  }
0x16c: {  	s21 =	sadd.s32 $0x40, s3;
	v54 =	vld [tilespmem:s20+$0x6C10];
	v39 =	vmax.f32 v39, $0.0e+00;
	v56 =	vmul.f32 v51, v43;
	(erf) = vrcp.f32 v40  }
0x16d: {  	s23 =	sadd.s32 $0x20, s21;
	v53 =	vld [tilespmem:s20+$0x6920];
	v45 =	vadd.f32 v45, v36;
	vm5 =	veq.s32 v60, v37;
	v57 =	vmul.f32 v39, v41  }
0x16e: {  	s31 =	sadd.s32 $0x30, s21;
	v59 =	vld [tilespmem:s20+$0x6C00];
	v60 =	vmax.f32 v44, v33;
	v39 =	vadd.s32 s23, v0;
	v43 =	vsub.f32 v61, v56  }
0x16f: {  	s30 =	sadd.s32 $0x30, s3;
	v55 =	vld [tilespmem:s20+$0x6C20];
	v41 =	vadd.s32 s31, v0;
	v52 =	vmin.f32 v52, v32;
	v45 =	vsub.f32 v45, v57  }
0x170: {  	v38 =	vadd.s32 s30, v0;
	v51 =	vld [tilespmem:s20+$0x6D80];
	v49 =	vmax.f32 v62, v33;
	v43 =	vadd.f32 $9.999999930e-09, v43;
	v58 =	vpop (erf)  }
0x171: {  	s22 =	sadd.s32 $0x10, s21;
	v61 =	vmin.f32 v54, v31;
	v54 =	vld [tilespmem:s20+$0x6F10];
	v45 =	vadd.f32 $9.999999930e-09, v45;
	v48 =	vmul.f32 v58, v48  }
0x172: {  	v40 =	vadd.s32 s22, v0;
	v44 =	vsub.f32 v61, v60;
	(erf) = vrcp.f32 v43;
	v58 =	vld [tilespmem:s20+$0x6DA0]  }
0x173: {  	(erf) = vrcp.f32 v45;
	v45 =	vmin.f32 v59, v31;
	v59 =	vld [tilespmem:s20+$0x6A80];
	vm7 =	vge.f32 v48, $2.000000030e-01  }
0x174: {  	v60 =	vmin.f32 v55, v31;
	v48 =	vld [tilespmem:s20+$0x6AA0];
	vm7 =	vmor vm6, vm7;
	vm6 =	veq.s32 v50, v37  }
0x175: {  	v46 =	vld [tilespmem:s19+$0x70A0];
	v62 =	vpop (erf);
	v50 =	vmin.f32 v51, v32;
	v51 =	vsub.f32 v52, v63;
	v47 =	vsel vm7, $0xF149F2CA, v47  }
0x176: {  	v44 =	vmax.f32 v44, $0.0e+00;
	v43 =	vld [tilespmem:s20+$0x6F00];
	v42 =	vmul.f32 v62, v42;
	v52 =	vmax.f32 v53, v33;
	[tilespmem:s19+$0x7090] =	vst v47  }
0x177: {  	v62 =	vadd.f32 v54, v36;
	v52 =	vsub.f32 v60, v52;
	v63 =	vmax.f32 v51, $0.0e+00;
	v55 =	vld [tilespmem:s20+$0x6F20]  }
0x178: {  	vm7 =	vge.f32 v42, $2.000000030e-01;
	v61 =	vmin.f32 v58, v32;
	v58 =	vld [tilespmem:s20+$0x6930];
	v44 =	vmul.f32 v63, v44  }
0x179: {  	v42 =	vsub.f32 v45, v49;
	v53 =	vmax.f32 v59, v34;
	v54 =	vld [tilespmem:s20+$0x6C30];
	v47 =	vmax.f32 v48, v34  }
0x17a: {  	vm7 =	vmor vm6, vm7;
	v59 =	vld [tilespmem:s20+$0x6AB0];
	v47 =	vsub.f32 v61, v47;
	v45 =	vsub.f32 v62, v44  }
0x17b: {  	v50 =	vsub.f32 v50, v53;
	v53 =	vmax.f32 v52, $0.0e+00;
	v42 =	vmax.f32 v42, $0.0e+00;
	v60 =	vpop (erf)  }
0x17c: {  	v51 =	vld [tilespmem:s20+$0x6DB0];
	v46 =	vsel vm7, $0xF149F2CA, v46;
	v63 =	vpop (erf);
	v61 =	vmax.f32 v47, $0.0e+00;
	v45 =	vadd.f32 $9.999999930e-09, v45  }
0x17d: {  	v49 =	vld [tilespmem:s20+$0x6F30];
	v47 =	vmul.f32 v63, v57;
	v52 =	vadd.f32 v55, v36;
	v55 =	vmax.f32 v50, $0.0e+00  }
0x17e: {  	v48 =	vld [tilespmem:s19+$0x7080];
	v62 =	vmax.f32 v58, v33;
	v63 =	vmin.f32 v54, v31;
	(erf) = vrcp.f32 v45  }
0x17f: {  	v50 =	vld [tilespmem:s19+$0x70B0];
	v54 =	vmax.f32 v59, v34;
	vm6 =	vge.f32 v47, $2.000000030e-01;
	v42 =	vmul.f32 v55, v42  }
0x180: {  	s23 =	simm.s32 $0x200;
	s22 =	smov.u32 s21;
	v47 =	vld [tilespmem:s20+$0x7090];
	v45 =	vmul.f32 v61, v53;
	v55 =	vsub.f32 v63, v62;
	[tilespmem:s19+$0x70A0] =	vst v46;
	v53 =	vmul.f32 v60, v56  }
.LBB2_10:
0x181: {  	s24 =	sshra.s32 s23, $0x2;
	p1 =	sne.s32 s23, $0x400;
	s23 =	sadd.s32 $0x100, s23;
	v46 =	vld [tilespmem:s20+$0x70A0];
	v51 =	vmin.f32 v51, v32;
	vm5 =	vmor vm5, vm6;
	vm6 =	veq.s32 v38, v37;
	v38 =	vmovc v41  }
0x182: {  	v56 =	vld [tilespmem:s24+$0x6920];
	v41 =	vsub.f32 v52, v45;
	v51 =	vsub.f32 v51, v54;
	vm7 =	vge.f32 v53, $2.000000030e-01  }
0x183: {  	s21 =	sadd.s32 $0x40, s21;
	v53 =	vmax.f32 v55, $0.0e+00;
	v48 =	vsel vm5, $0xF149F2CA, v48;
	v52 =	vld [tilespmem:s24+$0x6D90];
	vm5 =	vmor vm6, vm7  }
0x184: {  	s25 =	sadd.s32 $0x10, s21;
	v54 =	vld [tilespmem:s24+$0x6C10];
	v41 =	vadd.f32 $9.999999930e-09, v41;
	v51 =	vmax.f32 v51, $0.0e+00;
	[tilespmem:s19+$0x7080] =	vst v48;
	v48 =	vsel vm5, $0xF149F2CA, v50  }
0x185: {  	v49 =	vadd.f32 v49, v36;
	v55 =	vadd.s32 s25, v0;
	s25 =	sadd.s32 $0x20, s21;
	v50 =	vld [tilespmem:s24+$0x6A90];
	v53 =	vmul.f32 v51, v53;
	[tilespmem:s19+$0x70B0] =	vst v48;
	s19 =	smov.u32 s20;
	s20 =	smov.u32 s24  }
0x186: {  	v43 =	vadd.f32 v43, v36;
	v51 =	vadd.s32 s25, v0;
	s24 =	sadd.s32 $0x30, s21;
	v48 =	vld [tilespmem:s20+$0x6910];
	(erf) = vrcp.f32 v41  }
0x187: {  	v41 =	vadd.s32 s24, v0;
	v57 =	vld [tilespmem:s20+$0x6D80];
	v49 =	vsub.f32 v49, v53;
	v58 =	vpop (erf)  }
0x188: {  	v43 =	vsub.f32 v43, v42;
	v59 =	vld [tilespmem:s20+$0x6C00];
	v44 =	vmul.f32 v58, v44  }
0x189: {  	v60 =	vadd.s32 s22, v0;
	s22 =	smov.u32 s21;
	vm6 =	veq.s32 v40, v37;
	v40 =	vmovc v55;
	v58 =	vld [tilespmem:s20+$0x6DA0];
	v49 =	vadd.f32 $9.999999930e-09, v49  }
0x18a: {  	vm5 =	veq.s32 v60, v37;
	v43 =	vadd.f32 $9.999999930e-09, v43;
	v55 =	vld [tilespmem:s20+$0x6900];
	vm7 =	vge.f32 v44, $2.000000030e-01  }
0x18b: {  	v44 =	vld [tilespmem:s20+$0x6AA0];
	vm7 =	vmor vm6, vm7;
	vm6 =	veq.s32 v39, v37;
	(erf) = vrcp.f32 v49;
	v39 =	vmovc v51  }
0x18c: {  	v50 =	vmax.f32 v50, v34;
	v49 =	vmin.f32 v57, v32;
	v51 =	vld [tilespmem:s20+$0x6C20];
	(erf) = vrcp.f32 v43  }
0x18d: {  	v43 =	vmax.f32 v48, v33;
	v48 =	vmin.f32 v54, v31;
	v57 =	vmin.f32 v59, v31;
	v54 =	vld [tilespmem:s20+$0x6F10]  }
0x18e: {  	v52 =	vmin.f32 v52, v32;
	v60 =	vsel vm7, $0xF149F2CA, v47;
	v48 =	vsub.f32 v48, v43;
	v59 =	vld [tilespmem:s20+$0x6A80]  }
0x18f: {  	v50 =	vsub.f32 v52, v50;
	v52 =	vmax.f32 v56, v33;
	v55 =	vmax.f32 v55, v33;
	v43 =	vld [tilespmem:s20+$0x6F00];
	[tilespmem:s19+$0x7090] =	vst v60;
	v47 =	vpop (erf)  }
0x190: {  	v48 =	vmax.f32 v48, $0.0e+00;
	v56 =	vmax.f32 v44, v34;
	v60 =	vld [tilespmem:s20+$0x6930];
	v45 =	vmul.f32 v47, v45  }
0x191: {  	v44 =	vmax.f32 v50, $0.0e+00;
	v50 =	vmin.f32 v58, v32;
	v47 =	vmin.f32 v51, v31;
	v58 =	vld [tilespmem:s20+$0x6F20]  }
0x192: {  	v44 =	vmul.f32 v44, v48;
	v50 =	vsub.f32 v50, v56;
	v48 =	vadd.f32 v54, v36;
	v54 =	vld [tilespmem:s20+$0x6AB0]  }
0x193: {  	v62 =	vsub.f32 v47, v52;
	vm7 =	vge.f32 v45, $2.000000030e-01;
	v56 =	vmax.f32 v59, v34;
	v59 =	vld [tilespmem:s20+$0x6C30]  }
0x194: {  	v45 =	vsub.f32 v57, v55;
	vm7 =	vmor vm6, vm7;
	v52 =	vsub.f32 v48, v44;
	v51 =	vld [tilespmem:s20+$0x6DB0];
	v57 =	vpop (erf)  }
0x195: {  	v61 =	vmax.f32 v50, $0.0e+00;
	v55 =	vsub.f32 v49, v56;
	v56 =	vmax.f32 v62, $0.0e+00;
	v48 =	vld [tilespmem:s19+$0x7080];
	v47 =	vpop (erf)  }
.Ltmp6:
0x196: {  	v50 =	vadd.f32 $9.999999930e-09, v52;
	v52 =	vadd.f32 v58, v36;
	v49 =	vld [tilespmem:s20+$0x6F30];
	v42 =	vmul.f32 v47, v42;
	(pc) =	sbr.rel @p1 .LBB2_10-.Ltmp6, $4  }
0x197: {  	v45 =	vmax.f32 v45, $0.0e+00;
	v47 =	vmax.f32 v55, $0.0e+00;
	v55 =	vmax.f32 v60, v33  }
0x198: {  	v58 =	vmin.f32 v59, v31;
	(erf) = vrcp.f32 v50;
	vm6 =	vge.f32 v42, $2.000000030e-01  }
0x199: {  	v46 =	vsel vm7, $0xF149F2CA, v46;
	v54 =	vmax.f32 v54, v34;
	v42 =	vmul.f32 v47, v45;
	v50 =	vld [tilespmem:s19+$0x70B0]  }
0x19a: {  	v53 =	vmul.f32 v57, v53;
	v45 =	vmul.f32 v61, v56;
	v55 =	vsub.f32 v58, v55;
	v47 =	vld [tilespmem:s20+$0x7090];
	[tilespmem:s19+$0x70A0] =	vst v46  }
0x19b: {  	v46 =	vmin.f32 v51, v32  }
0x19c: {  	v46 =	vsub.f32 v46, v54;
	_ =	sdelay $0x1  }
0x19d: {  	v59 =	vmax.f32 v55, $0.0e+00;
	v46 =	vmax.f32 v46, $0.0e+00  }
0x19e: {  	v49 =	vadd.f32 v49, v36;
	v46 =	vmul.f32 v46, v59  }
0x19f: {  	v61 =	vadd.f32 v43, v36;
	v60 =	vsub.f32 v52, v45  }
0x1a0: {  	v62 =	vsub.f32 v49, v46  }
0x1a1: {  	v36 =	vsub.f32 v61, v42;
	v63 =	vadd.f32 $9.999999930e-09, v60  }
0x1a2: {  	v43 =	vadd.f32 $9.999999930e-09, v62  }
0x1a3: {  	v36 =	vadd.f32 $9.999999930e-09, v36;
	(erf) = vrcp.f32 v63  }
0x1a4: {  	(erf) = vrcp.f32 v43  }
0x1a5: {  	(erf) = vrcp.f32 v36;
	_ =	sdelay $0x3  }
0x1a6: {  	vm5 =	vmor vm5, vm6;
	v43 =	vpop (erf)  }
0x1a7: {  	vm6 =	veq.s32 v38, v37;
	vm7 =	vge.f32 v53, $2.000000030e-01;
	v36 =	vmul.f32 v43, v44  }
0x1a8: {  	v49 =	vsel vm5, $0xF149F2CA, v48;
	vm5 =	vmor vm6, vm7  }
0x1a9: {  	v51 =	vld [tilespmem:s20+$0x70A0];
	vm6 =	veq.s32 v40, v37;
	[tilespmem:s19+$0x7080] =	vst v49;
	v52 =	vsel vm5, $0xF149F2CA, v50;
	v53 =	vpop (erf);
	vm7 =	vge.f32 v36, $2.000000030e-01  }
0x1aa: {  	v40 =	vlaneseq.u32 @!p0;
	[tilespmem:s19+$0x70B0] =	vst v52;
	s19 =	sshll.u32 @!p0 s18, $0x2;
	v38 =	vmul.f32 v53, v45;
	vm5 =	vmor vm6, vm7;
	v55 =	vpop (erf)  }
0x1ab: {  	v56 =	vadd.s32 s22, v0;
	v58 =	vld [tilespmem:s20+$0x7080];
	v40 =	vadd.s32 @!p0 s19, v40;
	v54 =	vsel vm5, $0xF149F2CA, v47;
	v57 =	vpop (erf)  }
0x1ac: {  	v59 =	vld [tilespmem:s20+$0x70B0];
	vm5 =	veq.s32 v39, v37;
	vm6 =	vge.f32 v38, $2.000000030e-01;
	v36 =	vmul.f32 v57, v42  }
0x1ad: {  	vm7 =	veq.s32 v56, v37;
	vm5 =	vmor vm5, vm6;
	v60 =	vmul.f32 v55, v46  }
0x1ae: {  	v61 =	vsel vm5, $0xF149F2CA, v51;
	vm6 =	vge.f32 v36, $2.000000030e-01;
	v36 =	vmov @!p0 s18  }
0x1af: {  	[tilespmem:s20+$0x7090] =	vst v54;
	vm5 =	vmor vm7, vm6;
	vm6 =	veq.s32 v41, v37;
	vm7 =	vge.f32 v60, $2.000000030e-01  }
0x1b0: {  	v33 =	vsel @!p0 vm0, v33, v34;
	[tilespmem:s20+$0x70A0] =	vst v61;
	v62 =	vsel vm5, $0xF149F2CA, v58;
	vm5 =	vmor vm6, vm7  }
.Ltmp7:
0x1b1: {  	v31 =	vsel @!p0 vm1, v33, v31;
	[tilespmem:s20+$0x7080] =	vst v62;
	v63 =	vsel vm5, $0xF149F2CA, v59;
	(pc) =	sbr.rel .LBB2_8-.Ltmp7, $4  }
0x1b2: {  	v31 =	vsel @!p0 vm2, v31, v32;
	s19 =	simm.s32 @!p0 $0x7500;
	[tilespmem:s20+$0x70B0] =	vst v63  }
0x1b3: {  	[tilespmem:v40+s19+$0x0] =	vst.idx.msk @!p0 $0xf, v31;
	s19 =	simm.s32 @!p0 $0x7700  }
0x1b4: {  	[tilespmem:v36+s19+$0x0] =	vst.idx.msk @!p0 $0x1, v30;
	s19 =	simm.s32 @!p0 $0x7780  }
0x1b5: {  	s18 =	sadd.s32 $0x1, s18;
	[tilespmem:v36+s19+$0x0] =	vst.idx.msk @!p0 $0x1, v35  }
.LBB2_13:
0x1b6: {  	_ =	sfence.sel @p0 $0x180000  }
0x1b7: {  	[bflag:$0x0] =	sbarrier.arrive @p0 $0xFFFF  }
0x1b8: {  	_ =	strace @p0 $0x90000047  }
0x1b9: {  	s3 =	simm.s32 @!p0 $0x0;
	s4 =	simm.s32 @!p0 $0x7500;
	[bflag:$0x2] =	sbarrier.arrive @p0 $0xFFFF  }
0x1ba: {  	[hbm4b:s2+s3] =	stream.linear.scatter @!p0 [tilespmem:s4], [sflag:$0x2], $0x200, $0x38;
	[tilespmem:$0x7820] =	vst v63  }
0x1bb: {  	s2 =	simm.s32 @!p0 $0x2  }
0x1bc: {  	_ =	swait.ge @!p0 [sflag:s2], $0x200  }
0x1bd: {  	[sflag:s2] =	ssyncset.done @!p0 $0x0  }
0x1be: {  	s4 =	simm.s32 @!p0 $0x7700;
	[sflag:s2] =	ssyncadd.s32 @!p0 $0xFFFFFE00  }
0x1bf: {  	[hbm4b:s1+s3] =	stream.linear.scatter @!p0 [tilespmem:s4], [sflag:$0x2], $0x80, $0x38;
	[tilespmem:$0x7820] =	vst v63  }
0x1c0: {  	_ =	swait.ge @!p0 [sflag:s2], $0x80  }
0x1c1: {  	[sflag:s2] =	ssyncset.done @!p0 $0x0  }
0x1c2: {  	s1 =	simm.s32 @!p0 $0x7780;
	[sflag:s2] =	ssyncadd.s32 @!p0 $0xFFFFFF80  }
0x1c3: {  	[hbm4b:s5+s3] =	stream.linear.scatter @!p0 [tilespmem:s1], [sflag:$0x2], $0x80, $0x38;
	[tilespmem:$0x7820] =	vst v63  }
0x1c4: {  	_ =	swait.ge @!p0 [sflag:s2], $0x80  }
0x1c5: {  	[sflag:s2] =	ssyncset.done @!p0 $0x0  }
0x1c6: {  	[sflag:s2] =	ssyncadd.s32 @!p0 $0xFFFFFF80  }
0x1c7: {  	_ =	sfence.sel @!p0 $0x180000  }
0x1c8: {  	[bflag:$0x0] =	sbarrier.arrive @!p0 $0xFFFF  }
0x1c9: {  	_ =	strace @!p0 $0x90000047  }
0x1ca: {  	s0 =	sadd.s32 @!p0 $0x100000, s0;
	[bflag:$0x2] =	sbarrier.arrive @!p0 $0xFFFF  }
0x1cb: {  	[sflag:s0] =	ssyncadd.tile.s32 @!p0 $0x1;
	_ =	shalt  }
.Lfunc_end2:
_tile_overlayer_lowered:
.L_overlay_start_2:
0x1cc: {  	(tag) =	ssettag $0x2  }
0x1cd: {  	s0 =	rddreg [dreg:$0x0];
	s2 =	stileid.u32  }
0x1ce: {  	s1 =	rddreg [dreg:$0x1];
	p0 =	sne.s32 s2, $0x0  }
0x1cf: {  	s3 =	rddreg [dreg:$0x2];
	[bflag:$0x3] =	sbarrier.arrive $0xFFFF;
	s2 =	simm.s32 @!p0 $0x1C02  }
0x1d0: {  	[timem:s3], [sflag:s2] =	dma.local @!p0 [hbm:s0], s1  }
0x1d1: {  	s0 =	simm.s32 @!p0 $0x2  }
0x1d2: {  	_ =	swait.ge @!p0 [sflag:s0], s1  }
0x1d3: {  	s1 =	ssub.s32 @!p0 $0x0, s1;
	[sflag:s0] =	ssyncset.done @!p0 $0x0  }
0x1d4: {  	[sflag:s0] =	ssyncadd.s32 @!p0 s1  }
0x1d5: {  	[bflag:$0x3] =	sbarrier.arrive $0xFFFF  }
0x1d6: {  	_ =	shalt  }

</sc_bundles>
